<compile_context>
chip_gen: v7x
topology: tpu7x:2x2x1
jax: 0.10.2.dev20260603
libtpu: 0.0.44.dev20260713+nightly
codegen_flags: <defaults>
</compile_context>

<pallas_src>
import jax
import jax.numpy as jnp
from jax.experimental import pallas as pl
from jax.experimental.pallas import tpu as pltpu

B = 8192
INPUT_DIM = 768
EMB_DIM = 64
K = 8192
DEPTH = 4
BLK = 512


def _dot(a, b):
    return jax.lax.dot(a.astype(jnp.bfloat16), b.astype(jnp.bfloat16),
                       preferred_element_type=jnp.float32)


def _mlp_body(x_ref, w0, b0, w1, b1, w2, b2, w3, b3, out_ref):
    h = x_ref[...]
    for (w, b, act) in ((w0, b0, True), (w1, b1, True),
                        (w2, b2, True), (w3, b3, False)):
        h = _dot(h, w[...]) + b[...]
        if act:
            h = jnp.maximum(h, 0.0)
    out_ref[...] = h


def _mlp_pallas(x, ws, bs, out_dim):
    n = x.shape[0]
    bs = [b.reshape(1, -1) for b in bs]
    args = []
    for w, b in zip(ws, bs):
        args += [w, b]

    def full(a):
        return pl.BlockSpec(a.shape, lambda i: (0, 0))

    in_specs = [pl.BlockSpec((BLK, x.shape[1]), lambda i: (i, 0))]
    in_specs += [full(a) for a in args]
    return pl.pallas_call(
        _mlp_body,
        grid=(n // BLK,),
        in_specs=in_specs,
        out_specs=pl.BlockSpec((BLK, out_dim), lambda i: (i, 0)),
        out_shape=jax.ShapeDtypeStruct((n, out_dim), jnp.float32),
        compiler_params=pltpu.CompilerParams(
            dimension_semantics=("arbitrary",),
        ),
    )(x, *args)


def kernel(x, enc_w0, enc_b0, enc_w1, enc_b1, enc_w2, enc_b2, enc_w3, enc_b3,
           dec_w0, dec_b0, dec_w1, dec_b1, dec_w2, dec_b2, dec_w3, dec_b3,
           codebook):
    h = x
    for w, b, act in ((enc_w0, enc_b0, True), (enc_w1, enc_b1, True),
                      (enc_w2, enc_b2, True), (enc_w3, enc_b3, False)):
        h = h @ w + b
        if act:
            h = jax.nn.relu(h)
    z = h

    z_det = jax.lax.stop_gradient(z)
    residue = z_det
    cb_sq = jnp.sum(codebook ** 2, axis=1)
    codes = []
    z_hat = None
    for d in range(DEPTH):
        flat = residue
        dist = (jnp.sum(flat ** 2, axis=1, keepdims=True) + cb_sq
                - 2.0 * (flat @ codebook.T))
        idx = jnp.argmin(dist, axis=1)
        quantized = jnp.take(codebook, idx, axis=0)
        if d == 0:
            z_hat = quantized
        else:
            z_hat = z_hat + quantized
        codes.append(idx)
        residue = z_det - z_hat
    all_codes = jnp.stack(codes, axis=1)

    z_flow = z + jax.lax.stop_gradient(z_hat - z)
    x_recon = _mlp_pallas(z_flow, (dec_w0, dec_w1, dec_w2, dec_w3),
                          (dec_b0, dec_b1, dec_b2, dec_b3), INPUT_DIM)
    return (x_recon, all_codes)

# --- scband reference (transcript-rebuilt; emitter-appended) ---
"""Pipeline reference for scband-rqvae-72292889526321 (READ-ONLY COPY).

The authoritative reference and input builder live on the scoring server;
editing this copy changes nothing except your own understanding.
"""

import jax, jax.numpy as jnp
import numpy as np

B = 8192
INPUT_DIM = 768
HIDDENS = (512, 256, 128)
EMB_DIM = 64
K = 8192
DEPTH = 4


def setup_inputs(seed: int = 0) -> dict:
    key = jax.random.key(seed)
    ks = jax.random.split(key, 12)
    inp = {}
    inp['x'] = jax.random.normal(ks[0], (B, INPUT_DIM), dtype=jnp.float32)
    dims_e = [INPUT_DIM, HIDDENS[0], HIDDENS[1], HIDDENS[2], EMB_DIM]
    for i in range(4):
        k = jax.random.fold_in(ks[1], i)
        inp[f'enc_w{i}'] = jax.random.normal(k, (dims_e[i], dims_e[i + 1]), dtype=jnp.float32) / np.sqrt(dims_e[i])
        inp[f'enc_b{i}'] = jnp.zeros((dims_e[i + 1],), dtype=jnp.float32)
    dims_d = [EMB_DIM, HIDDENS[0], HIDDENS[1], HIDDENS[2], INPUT_DIM]
    for i in range(4):
        k = jax.random.fold_in(ks[2], i)
        inp[f'dec_w{i}'] = jax.random.normal(k, (dims_d[i], dims_d[i + 1]), dtype=jnp.float32) / np.sqrt(dims_d[i])
        inp[f'dec_b{i}'] = jnp.zeros((dims_d[i + 1],), dtype=jnp.float32)
    inp['codebook'] = jax.random.normal(ks[3], (K, EMB_DIM), dtype=jnp.float32)
    return inp


def _mlp(h, ws, bs):
    n = len(ws)
    for i in range(n):
        h = h @ ws[i] + bs[i]
        if i < n - 1:
            h = jax.nn.relu(h)
    return h


def reference(x, enc_w0, enc_b0, enc_w1, enc_b1, enc_w2, enc_b2, enc_w3, enc_b3,
              dec_w0, dec_b0, dec_w1, dec_b1, dec_w2, dec_b2, dec_w3, dec_b3, codebook):
    # Encoder
    z = _mlp(x, [enc_w0, enc_w1, enc_w2, enc_w3], [enc_b0, enc_b1, enc_b2, enc_b3])
    # Residual quantization (eval-mode VectorQuantizerEMA: no EMA buffer updates)
    z_det = jax.lax.stop_gradient(z)
    residue = z_det
    cb_sq = jnp.sum(codebook ** 2, axis=1)
    codes = []
    z_hat = None
    for d in range(DEPTH):
        flat = residue
        dist = jnp.sum(flat ** 2, axis=1, keepdims=True) + cb_sq - 2.0 * (flat @ codebook.T)
        idx = jnp.argmin(dist, axis=1)
        quantized = jnp.take(codebook, idx, axis=0)
        if d == 0:
            z_hat = quantized
        else:
            z_hat = z_hat + quantized
        codes.append(idx)
        residue = z_det - z_hat
    all_codes = jnp.stack(codes, axis=1)
    # straight-through estimator
    z_hat_flowing = z + jax.lax.stop_gradient(z_hat - z)
    # Decoder
    x_recon = _mlp(z_hat_flowing, [dec_w0, dec_w1, dec_w2, dec_w3], [dec_b0, dec_b1, dec_b2, dec_b3])
    return (x_recon, all_codes)

if __name__ == "__main__":
    import jax
    _d = setup_inputs()
    print(jax.jit(kernel)(*tuple(_d.values())))

</pallas_src>

<mosaic_0001>
module attributes {stable_mosaic.version = 14 : i64} {
  func.func @_mlp_body(%arg0: i32, %arg1: memref<512x64xf32, #tpu.memory_space<vmem>>, %arg2: memref<64x512xf32, #tpu.memory_space<vmem>>, %arg3: memref<1x512xf32, #tpu.memory_space<vmem>>, %arg4: memref<512x256xf32, #tpu.memory_space<vmem>>, %arg5: memref<1x256xf32, #tpu.memory_space<vmem>>, %arg6: memref<256x128xf32, #tpu.memory_space<vmem>>, %arg7: memref<1x128xf32, #tpu.memory_space<vmem>>, %arg8: memref<128x768xf32, #tpu.memory_space<vmem>>, %arg9: memref<1x768xf32, #tpu.memory_space<vmem>>, %arg10: memref<512x768xf32, #tpu.memory_space<vmem>>) attributes {dimension_semantics = [#tpu.dimension_semantics<arbitrary>], iteration_bounds = array<i64: 16>, scalar_prefetch = 0 : i64, scratch_operands = 0 : i64, tpu.core_type = #tpu.core_type<tc>, window_params = [{transform_indices = @transform_0, window_bounds = array<i64: 512, 64>}, {pipeline_mode = #tpu.pipeline_mode<synchronous>, transform_indices = @transform_1, window_bounds = array<i64: 64, 512>}, {pipeline_mode = #tpu.pipeline_mode<synchronous>, transform_indices = @transform_2, window_bounds = array<i64: 1, 512>}, {pipeline_mode = #tpu.pipeline_mode<synchronous>, transform_indices = @transform_3, window_bounds = array<i64: 512, 256>}, {pipeline_mode = #tpu.pipeline_mode<synchronous>, transform_indices = @transform_4, window_bounds = array<i64: 1, 256>}, {pipeline_mode = #tpu.pipeline_mode<synchronous>, transform_indices = @transform_5, window_bounds = array<i64: 256, 128>}, {pipeline_mode = #tpu.pipeline_mode<synchronous>, transform_indices = @transform_6, window_bounds = array<i64: 1, 128>}, {pipeline_mode = #tpu.pipeline_mode<synchronous>, transform_indices = @transform_7, window_bounds = array<i64: 128, 768>}, {pipeline_mode = #tpu.pipeline_mode<synchronous>, transform_indices = @transform_8, window_bounds = array<i64: 1, 768>}, {transform_indices = @transform_9, window_bounds = array<i64: 512, 768>}]} {
    %get3A = arith.constant 0 : index
    %get3A_0 = arith.constant 0 : index
    %get3A_1 = vector.load %arg1[%get3A, %get3A_0] : memref<512x64xf32, #tpu.memory_space<vmem>>, vector<512x64xf32>
    %get3A_2 = arith.constant 0 : index
    %get3A_3 = arith.constant 0 : index
    %get3A_4 = vector.load %arg2[%get3A_2, %get3A_3] : memref<64x512xf32, #tpu.memory_space<vmem>>, vector<64x512xf32>
    %convert_element_type3A = arith.truncf %get3A_1 : vector<512x64xf32> to vector<512x64xbf16>
    %convert_element_type3A_5 = arith.truncf %get3A_4 : vector<64x512xf32> to vector<64x512xbf16>
    %dot_general3A = arith.constant dense<0.000000e+00> : vector<512x512xf32>
    %dot_general3A_6 = tpu.matmul %convert_element_type3A, %convert_element_type3A_5, %dot_general3A {dimension_numbers = #tpu.dot_dimension_numbers<[1], [0], [0], [1], [0, 0, 1, 1], [], []>, transpose_lhs_hint = false} : vector<512x64xbf16>, vector<64x512xbf16>, vector<512x512xf32> -> vector<512x512xf32>
    %get3A_7 = arith.constant 0 : index
    %get3A_8 = arith.constant 0 : index
    %get3A_9 = vector.load %arg3[%get3A_7, %get3A_8] : memref<1x512xf32, #tpu.memory_space<vmem>>, vector<1x512xf32>
    %add3A = vector.broadcast %get3A_9 : vector<1x512xf32> to vector<512x512xf32>
    %add3A_10 = arith.addf %dot_general3A_6, %add3A : vector<512x512xf32>
    %max3A = arith.constant 0.000000e+00 : f32
    %max3A_11 = vector.broadcast %max3A : f32 to vector<512x512xf32>
    %max3A_12 = arith.maximumf %add3A_10, %max3A_11 : vector<512x512xf32>
    %get3A_13 = arith.constant 0 : index
    %get3A_14 = arith.constant 0 : index
    %get3A_15 = vector.load %arg4[%get3A_13, %get3A_14] : memref<512x256xf32, #tpu.memory_space<vmem>>, vector<512x256xf32>
    %convert_element_type3A_16 = arith.truncf %max3A_12 : vector<512x512xf32> to vector<512x512xbf16>
    %convert_element_type3A_17 = arith.truncf %get3A_15 : vector<512x256xf32> to vector<512x256xbf16>
    %dot_general3A_18 = arith.constant dense<0.000000e+00> : vector<512x256xf32>
    %dot_general3A_19 = tpu.matmul %convert_element_type3A_16, %convert_element_type3A_17, %dot_general3A_18 {dimension_numbers = #tpu.dot_dimension_numbers<[1], [0], [0], [1], [0, 0, 1, 1], [], []>, transpose_lhs_hint = false} : vector<512x512xbf16>, vector<512x256xbf16>, vector<512x256xf32> -> vector<512x256xf32>
    %get3A_20 = arith.constant 0 : index
    %get3A_21 = arith.constant 0 : index
    %get3A_22 = vector.load %arg5[%get3A_20, %get3A_21] : memref<1x256xf32, #tpu.memory_space<vmem>>, vector<1x256xf32>
    %add3A_23 = vector.broadcast %get3A_22 : vector<1x256xf32> to vector<512x256xf32>
    %add3A_24 = arith.addf %dot_general3A_19, %add3A_23 : vector<512x256xf32>
    %max3A_25 = arith.constant 0.000000e+00 : f32
    %max3A_26 = vector.broadcast %max3A_25 : f32 to vector<512x256xf32>
    %max3A_27 = arith.maximumf %add3A_24, %max3A_26 : vector<512x256xf32>
    %get3A_28 = arith.constant 0 : index
    %get3A_29 = arith.constant 0 : index
    %get3A_30 = vector.load %arg6[%get3A_28, %get3A_29] : memref<256x128xf32, #tpu.memory_space<vmem>>, vector<256x128xf32>
    %convert_element_type3A_31 = arith.truncf %max3A_27 : vector<512x256xf32> to vector<512x256xbf16>
    %convert_element_type3A_32 = arith.truncf %get3A_30 : vector<256x128xf32> to vector<256x128xbf16>
    %dot_general3A_33 = arith.constant dense<0.000000e+00> : vector<512x128xf32>
    %dot_general3A_34 = tpu.matmul %convert_element_type3A_31, %convert_element_type3A_32, %dot_general3A_33 {dimension_numbers = #tpu.dot_dimension_numbers<[1], [0], [0], [1], [0, 0, 1, 1], [], []>, transpose_lhs_hint = false} : vector<512x256xbf16>, vector<256x128xbf16>, vector<512x128xf32> -> vector<512x128xf32>
    %get3A_35 = arith.constant 0 : index
    %get3A_36 = arith.constant 0 : index
    %get3A_37 = vector.load %arg7[%get3A_35, %get3A_36] : memref<1x128xf32, #tpu.memory_space<vmem>>, vector<1x128xf32>
    %add3A_38 = vector.broadcast %get3A_37 : vector<1x128xf32> to vector<512x128xf32>
    %add3A_39 = arith.addf %dot_general3A_34, %add3A_38 : vector<512x128xf32>
    %max3A_40 = arith.constant 0.000000e+00 : f32
    %max3A_41 = vector.broadcast %max3A_40 : f32 to vector<512x128xf32>
    %max3A_42 = arith.maximumf %add3A_39, %max3A_41 : vector<512x128xf32>
    %get3A_43 = arith.constant 0 : index
    %get3A_44 = arith.constant 0 : index
    %get3A_45 = vector.load %arg8[%get3A_43, %get3A_44] : memref<128x768xf32, #tpu.memory_space<vmem>>, vector<128x768xf32>
    %convert_element_type3A_46 = arith.truncf %max3A_42 : vector<512x128xf32> to vector<512x128xbf16>
    %convert_element_type3A_47 = arith.truncf %get3A_45 : vector<128x768xf32> to vector<128x768xbf16>
    %dot_general3A_48 = arith.constant dense<0.000000e+00> : vector<512x768xf32>
    %dot_general3A_49 = tpu.matmul %convert_element_type3A_46, %convert_element_type3A_47, %dot_general3A_48 {dimension_numbers = #tpu.dot_dimension_numbers<[1], [0], [0], [1], [0, 0, 1, 1], [], []>, transpose_lhs_hint = false} : vector<512x128xbf16>, vector<128x768xbf16>, vector<512x768xf32> -> vector<512x768xf32>
    %get3A_50 = arith.constant 0 : index
    %get3A_51 = arith.constant 0 : index
    %get3A_52 = vector.load %arg9[%get3A_50, %get3A_51] : memref<1x768xf32, #tpu.memory_space<vmem>>, vector<1x768xf32>
    %add3A_53 = vector.broadcast %get3A_52 : vector<1x768xf32> to vector<512x768xf32>
    %add3A_54 = arith.addf %dot_general3A_49, %add3A_53 : vector<512x768xf32>
    %swap3A = arith.constant 0 : index
    %swap3A_55 = arith.constant 0 : index
    %swap3A_56 = vector.load %arg10[%swap3A, %swap3A_55] : memref<512x768xf32, #tpu.memory_space<vmem>>, vector<512x768xf32>
    tpu.vector_store %arg10[%swap3A, %swap3A_55], %add3A_54 {strides = array<i32>} : memref<512x768xf32, #tpu.memory_space<vmem>>, vector<512x768xf32>,
    return
  }
  func.func @transform_0(%arg0: i32) -> (i32, i32) {
    %c0_i32 = arith.constant 0 : i32
    %c0_i32_0 = arith.constant 0 : i32
    return %arg0, %c0_i32 : i32, i32
  }
  func.func @transform_1(%arg0: i32) -> (i32, i32) {
    %c0_i32 = arith.constant 0 : i32
    %c0_i32_0 = arith.constant 0 : i32
    %c0_i32_1 = arith.constant 0 : i32
    return %c0_i32, %c0_i32_0 : i32, i32
  }
  func.func @transform_2(%arg0: i32) -> (i32, i32) {
    %c0_i32 = arith.constant 0 : i32
    %c0_i32_0 = arith.constant 0 : i32
    %c0_i32_1 = arith.constant 0 : i32
    return %c0_i32, %c0_i32_0 : i32, i32
  }
  func.func @transform_3(%arg0: i32) -> (i32, i32) {
    %c0_i32 = arith.constant 0 : i32
    %c0_i32_0 = arith.constant 0 : i32
    %c0_i32_1 = arith.constant 0 : i32
    return %c0_i32, %c0_i32_0 : i32, i32
  }
  func.func @transform_4(%arg0: i32) -> (i32, i32) {
    %c0_i32 = arith.constant 0 : i32
    %c0_i32_0 = arith.constant 0 : i32
    %c0_i32_1 = arith.constant 0 : i32
    return %c0_i32, %c0_i32_0 : i32, i32
  }
  func.func @transform_5(%arg0: i32) -> (i32, i32) {
    %c0_i32 = arith.constant 0 : i32
    %c0_i32_0 = arith.constant 0 : i32
    %c0_i32_1 = arith.constant 0 : i32
    return %c0_i32, %c0_i32_0 : i32, i32
  }
  func.func @transform_6(%arg0: i32) -> (i32, i32) {
    %c0_i32 = arith.constant 0 : i32
    %c0_i32_0 = arith.constant 0 : i32
    %c0_i32_1 = arith.constant 0 : i32
    return %c0_i32, %c0_i32_0 : i32, i32
  }
  func.func @transform_7(%arg0: i32) -> (i32, i32) {
    %c0_i32 = arith.constant 0 : i32
    %c0_i32_0 = arith.constant 0 : i32
    %c0_i32_1 = arith.constant 0 : i32
    return %c0_i32, %c0_i32_0 : i32, i32
  }
  func.func @transform_8(%arg0: i32) -> (i32, i32) {
    %c0_i32 = arith.constant 0 : i32
    %c0_i32_0 = arith.constant 0 : i32
    %c0_i32_1 = arith.constant 0 : i32
    return %c0_i32, %c0_i32_0 : i32, i32
  }
  func.func @transform_9(%arg0: i32) -> (i32, i32) {
    %c0_i32 = arith.constant 0 : i32
    %c0_i32_0 = arith.constant 0 : i32
    return %arg0, %c0_i32 : i32, i32
  }
}

</mosaic_0001>

<sc_bundles>
// kernel: gather_offload_async_start.1
scs
__scs_entry_jumppad:
0x0: {  	(pc) =	sbr.rel $0x88, $3  }
0x1: {  	(tag) =	ssettag $0x0;
	lr =	simm.s32 $0x1  }
0x2: {  	[smem:$0x3F8F] =	sst lr;
	_ =	strace $0xD0000000  }
0x3: {  	_ = 	snop  }
0x4: {  	_ = 	snop  }
0x5: {  	_ = 	snop  }
0x6: {  	_ = 	snop  }
0x7: {  	_ = 	snop  }
__scs_overlays_trampoline_lowered:
0x8: {  	[smem:$0x3F9E] =	sst s0  }
0x9: {  	[smem:$0x3F9F] =	sst s1  }
0xa: {  	[smem:$0x3FA0] =	sst s2  }
0xb: {  	[smem:$0x3FA1] =	sst s3  }
0xc: {  	[smem:$0x3FA2] =	sst s4  }
0xd: {  	[smem:$0x3FA3] =	sst s5  }
0xe: {  	[smem:$0x3FA4] =	sst s6  }
0xf: {  	[smem:$0x3FA5] =	sst s7  }
0x10: {  	[smem:$0x3FA6] =	sst s8  }
0x11: {  	[smem:$0x3FA7] =	sst s9;
	s0 =	simm.s32 @!p0 $0x0  }
0x12: {  	s1 =	sld [smem:$0x3F8D];
	s0 =	simm.s32 @p0 $0x1  }
0x13: {  	[smem:$0x3FA8] =	sst s0;
	s0 =	simm.s32 @!p1 $0x0  }
0x14: {  	s2 =	sld [smem:$0x3F8C];
	s0 =	simm.s32 @p1 $0x1  }
0x15: {  	[smem:$0x3FA9] =	sst s0;
	s0 =	simm.s32 @!p2 $0x0  }
0x16: {  	s3 =	sld [smem:$0x3FDB];
	s0 =	simm.s32 @p2 $0x1  }
0x17: {  	s4 =	simm.s32 $0x1BF5;
	[smem:$0x3FAB] =	sst s0  }
0x18: {  	s0 =	sld [smem:$0x3F8E];
	_ =	swait.ge [sflag:s4], $0x0  }
0x19: {  	s7 =	sld [smem:$0x3F8F]  }
0x1a: {  	s8 =	sadd.s32 $0xFFFFE003, lr  }
0x1b: {  	s9 =	sadd.s32 $0xFFFFFEF7, lr;
	s5 =	simm.s32 $0xFFFFFFFF;
	p2 =	slt.u32 s8, $0xFFFFF086  }
0x1c: {  	p1 =	slt.u32 s9, $0xF7A;
	s5 =	simm.s32 @!p2 $0x0  }
0x1d: {  	s5 =	simm.s32 @p1 $0x1;
	p0 =	seq.s32 s7, s2  }
0x1e: {  	s7 =	smul.u32 @!p0 $0xF7A, s2;
	p2 =	seq.s32 @!p0 s5, $0x0  }
0x1f: {  	s9 =	smul.u32 $0xF7A, s1;
	s8 =	simm.s32 @!p0 $0x1BF5;
	p2 =	por !p2, p0  }
0x20: {  	[sflag:s8] =	ssyncset.s32 @!p0 $0xFFFFF086;
	s6 =	sadd.s32 @!p0 s3, s7;
	s7 =	simm.s32 @!p0 $0x108  }
0x21: {  	s3 =	sadd.s32 s3, s9;
	s6 =	sadd.s32 @!p0 $0x88, s6;
	s7 =	simm.s32 @p2 $0x1082  }
0x22: {  	[simem:s7], [sflag:s8] =	dma.local @!p0 [hbm:s6], $0xF7A  }
0x23: {  	s9 =	sor.u32 $0xD0000000, s2;
	s6 =	simm.s32 $0x108;
	_ =	swait.ge @!p0 [sflag:s8], $0x0  }
0x24: {  	s3 =	sadd.s32 $0x88, s3;
	s6 =	simm.s32 @!p1 $0x1082;
	[sflag:s4] =	ssyncset.s32 $0xFFFFF086  }
0x25: {  	[simem:s6], [sflag:s4] =	dma.local [hbm:s3], $0xF7A  }
0x26: {  	[smem:$0x3F8F] =	sst s1;
	(tag) =	ssettag s2;
	_ =	strace s9  }
0x27: {  	s1 =	sld [smem:$0x3F9F]  }
0x28: {  	s2 =	sld [smem:$0x3FA0]  }
0x29: {  	s4 =	sld [smem:$0x3FA2]  }
0x2a: {  	p0 =	seq.s32 s5, $0x0;
	s5 =	sld [smem:$0x3FA3]  }
0x2b: {  	s6 =	sld [smem:$0x3FA4]  }
0x2c: {  	s7 =	sld [smem:$0x3FA5]  }
0x2d: {  	s3 =	simm.s32 $0x108;
	s8 =	sld [smem:$0x3FA6]  }
0x2e: {  	s3 =	simm.s32 @!p0 $0x1082;
	s9 =	sld [smem:$0x3FA7]  }
0x2f: {  	lr =	sadd.s32 s0, s3;
	s0 =	sld [smem:$0x3F9E]  }
0x30: {  	s3 =	sld [smem:$0x3FA1]  }
0x31: {  	[smem:$0x3FAA] =	sst s10  }
0x32: {  	s10 =	sld [smem:$0x3FA8];
	_ =	sdelay $0x3  }
0x33: {  	p0 =	seq.s32 s10, $0x1;
	s10 =	sld [smem:$0x3FAA];
	_ =	sdelay $0x3  }
0x34: {  	[smem:$0x3FAA] =	sst s10  }
0x35: {  	s10 =	sld [smem:$0x3FA9];
	_ =	sdelay $0x3  }
0x36: {  	p1 =	seq.s32 s10, $0x1;
	s10 =	sld [smem:$0x3FAA];
	_ =	sdelay $0x3  }
0x37: {  	[smem:$0x3FAA] =	sst s10  }
0x38: {  	s10 =	sld [smem:$0x3FAB]  }
0x39: {  	_ = 	snop;
	(pc) =	sbr.ind lr, $3  }
0x3a: {  	_ = 	snop  }
0x3b: {  	_ = 	snop  }
0x3c: {  	p2 =	seq.s32 s10, $0x1;
	s10 =	sld [smem:$0x3FAA]  }
0x3d: {  	_ =	shalt  }
0x3e: {  	_ =	shalt  }
0x3f: {  	_ =	shalt  }
0x40: {  	_ =	shalt  }
0x41: {  	_ =	shalt  }
0x42: {  	_ =	shalt  }
0x43: {  	_ =	shalt  }
0x44: {  	_ =	shalt  }
0x45: {  	_ =	shalt  }
0x46: {  	_ =	shalt  }
0x47: {  	_ =	shalt  }
0x48: {  	_ =	shalt  }
0x49: {  	_ =	shalt  }
0x4a: {  	_ =	shalt  }
0x4b: {  	_ =	shalt  }
0x4c: {  	_ =	shalt  }
0x4d: {  	_ =	shalt  }
0x4e: {  	_ =	shalt  }
0x4f: {  	_ =	shalt  }
0x50: {  	_ =	shalt  }
0x51: {  	_ =	shalt  }
0x52: {  	_ =	shalt  }
0x53: {  	_ =	shalt  }
0x54: {  	_ =	shalt  }
0x55: {  	_ =	shalt  }
0x56: {  	_ =	shalt  }
0x57: {  	_ =	shalt  }
0x58: {  	_ =	shalt  }
0x59: {  	_ =	shalt  }
0x5a: {  	_ =	shalt  }
0x5b: {  	_ =	shalt  }
0x5c: {  	_ =	shalt  }
0x5d: {  	_ =	shalt  }
0x5e: {  	_ =	shalt  }
0x5f: {  	_ =	shalt  }
0x60: {  	_ =	shalt  }
0x61: {  	_ =	shalt  }
0x62: {  	_ =	shalt  }
0x63: {  	_ =	shalt  }
0x64: {  	_ =	shalt  }
0x65: {  	_ =	shalt  }
0x66: {  	_ =	shalt  }
0x67: {  	_ =	shalt  }
0x68: {  	_ =	shalt  }
0x69: {  	_ =	shalt  }
0x6a: {  	_ =	shalt  }
0x6b: {  	_ =	shalt  }
0x6c: {  	_ =	shalt  }
0x6d: {  	_ =	shalt  }
0x6e: {  	_ =	shalt  }
0x6f: {  	_ =	shalt  }
0x70: {  	_ =	shalt  }
0x71: {  	_ =	shalt  }
0x72: {  	_ =	shalt  }
0x73: {  	_ =	shalt  }
0x74: {  	_ =	shalt  }
0x75: {  	_ =	shalt  }
0x76: {  	_ =	shalt  }
0x77: {  	_ =	shalt  }
0x78: {  	_ =	shalt  }
0x79: {  	_ =	shalt  }
0x7a: {  	_ =	shalt  }
0x7b: {  	_ =	shalt  }
0x7c: {  	_ =	shalt  }
0x7d: {  	_ =	shalt  }
0x7e: {  	_ =	shalt  }
0x7f: {  	_ =	shalt  }
0x80: {  	_ =	shalt  }
0x81: {  	_ =	shalt  }
0x82: {  	_ =	shalt  }
0x83: {  	_ =	shalt  }
0x84: {  	_ =	shalt  }
0x85: {  	_ =	shalt  }
0x86: {  	_ =	shalt  }
0x87: {  	_ =	shalt  }
.Lfunc_end0:
.L_simem_size_0:
called_computation.1_lowered:
.L_overlay_start_0:
0x88: {  	s2 =	sld [smem:$0x3FD9]  }
0x89: {  	s3 =	sld [smem:$0x3FFE];
	_ =	sdelay $0x1  }
0x8a: {  	s1 =	srdreg.scid  }
0x8b: {  	s0 =	sand.u32 $0x1, s1  }
0x8c: {  	s14 =	sshll.u32 s0, $0xA;
	s2 =	sadd.s32 s3, s2  }
0x8d: {  	s2 =	sadd.s32 s2, s14  }
0x8e: {  	[smem:$0x3FB6] =	sst s2  }
0x8f: {  	_ = 	snop  }
0x90: {  	s2 =	sld [smem:$0x3FD0];
	_ =	sdelay $0x2  }
0x91: {  	s15 =	simm.s32 $0xA;
	s4 =	simm.s32 $0x10  }
0x92: {  	[smem:s4], [sflag:s15] =	dma.local [hbm:s2], $0x1  }
0x93: {  	_ =	swait.eq [sflag:s15], $0x1  }
0x94: {  	[sflag:s15] =	ssyncset.done $0x0  }
0x95: {  	s16 =	sld [smem:$0x10];
	[sflag:s15] =	ssyncadd.s32 $0xFFFFFFFF  }
0x96: {  	s17 =	sld [smem:$0x11];
	(tm) =	ssettm $0x1  }
0x97: {  	s18 =	sld [smem:$0x3FFB];
	_ =	sdelay $0x3  }
0x98: {  	_ =	strace s18  }
0x99: {  	s4 =	sld [smem:$0x3FFC];
	_ =	sdelay $0x3  }
0x9a: {  	_ =	strace s4  }
0x9b: {  	s4 =	sld [smem:$0x3FFD];
	_ =	sdelay $0x3  }
0x9c: {  	_ =	strace s4  }
0x9d: {  	_ =	strace $0x8FFFFFFF  }
0x9e: {  	s19 =	sld [smem:$0x3FDB];
	_ =	sdelay $0x1  }
0x9f: {  	s5 =	simm.s32 $_scs_section_size  }
0xa0: {  	s6 =	simm.s32 $_size__tile_overlayer_lowered;
	s7 =	simm.s32 $_tile_overlayer_lowered  }
0xa1: {  	s22 =	simm.s32 $0x1BFF;
	s21 =	sshll.u32 s7, $0x1;
	s4 =	sadd.s32 s5, s19  }
0xa2: {  	s8 =	simm.s32 $0x0;
	s20 =	sshll.u32 s6, $0x1;
	s6 =	sadd.s32 s21, s4  }
0xa3: {  	[timem:s8], [sflag:s22] =	dma.local [hbm:s6], s20  }
0xa4: {  	_ =	swait.ge [sflag:s22], s20  }
0xa5: {  	s5 =	ssub.s32 $0x0, s20;
	[sflag:s22] =	ssyncset.done $0x0  }
0xa6: {  	[sflag:s22] =	ssyncadd.s32 s5;
	_ =	sdelay $0x1  }
0xa7: {  	s23 =	simm.s32 $0x1B8B  }
0xa8: {  	_ =	swait.ge [sflag:s23], $0x1  }
0xa9: {  	[sflag:s23] =	ssyncset.done $0x0  }
0xaa: {  	s25 =	simm.s32 $0x1B8E;
	s24 =	sld [smem:$0x3FFE];
	[sflag:s23] =	ssyncadd.s32 $0xFFFFFFFF  }
0xab: {  	s26 =	simm.s32 $execute0_lowered;
	[smem:$0x3FD2] =	sst s25  }
0xac: {  	s6 =	sshll.u32 s26, $0x1;
	_ =	strace $0x80000049;
	[dreg:$0x1] =	wrdreg $0xFFFFFFFF  }
0xad: {  	s28 =	simm.s32 $_size_execute0_lowered;
	s4 =	sadd.s32 s4, s6;
	[dreg:$0x0] =	wrdreg $0x0  }
0xae: {  	s6 =	sshll.u32 s28, $0x1;
	[dreg:$0x2] =	wrdreg s4  }
0xaf: {  	[dreg:$0x3] =	wrdreg s6  }
0xb0: {  	[dreg:$0x4] =	wrdreg $0xC0  }
0xb1: {  	_ =	task [dreg:s8], $0x5FFFF  }
0xb2: {  	[dreg:$0x1] =	wrdreg $0xFFFFFFFF  }
0xb3: {  	[dreg:$0x0] =	wrdreg $0x60  }
0xb4: {  	[dreg:$0x2] =	wrdreg s24  }
0xb5: {  	[dreg:$0x3] =	wrdreg s17  }
0xb6: {  	[dreg:$0x4] =	wrdreg s16  }
0xb7: {  	[dreg:$0x5] =	wrdreg $0x9  }
0xb8: {  	_ =	task.clear_ibuf [dreg:s8], $0x6FFFF;
	_ =	strace $0x90000049  }
0xb9: {  	s29 =	simm.s32 $0x9;
	_ =	strace $0x8000004B  }
0xba: {  	_ =	swait.ge [sflag:s29], $0x1  }
0xbb: {  	[sflag:s29] =	ssyncadd.s32 $0xFFFFFFFF  }
0xbc: {  	_ =	strace $0x9000004B  }
0xbd: {  	_ =	sfence  }
0xbe: {  	s30 =	sld [smem:$0x0];
	_ =	sdelay $0x2  }
0xbf: {  	s31 =	sshll.u32 s1, $0xD;
	s1 =	sshrl.u32 s1, $0x2  }
0xc0: {  	s3 =	sand.u32 $0x4000, s31;
	s1 =	sadd.s32 s1, s30  }
0xc1: {  	s0 =	sor.u32 s3, s0;
	s1 =	sshll.u32 s1, $0x11  }
0xc2: {  	s0 =	sor.u32 s1, s0  }
0xc3: {  	s0 =	sadd.s32 $0x8F2B, s0  }
0xc4: {  	[sflag:s0] =	ssyncadd.remote.s32 $0x1  }
0xc5: {  	_ =	sfence.sel $0xFFFF  }
0xc6: {  	[dreg:$0x0] =	wrdreg $0xFFFFFFFF;
	(pc) =	sbr.abs _section_cstart, $3  }
0xc7: {  	[dreg:$0x1] =	wrdreg $0xFFFFFFFF  }
0xc8: {  	_ =	task.clear_ibuf [dreg:s8], $0x2FFFF;
	_ =	strace $0x9FFFFFFF  }
0xc9: {  	(tm) =	ssettm $0x7FFFFFFF  }
tec
execute0_lowered:
.L_overlay_start_1:
0x0: {  	(tag) =	ssettag $0x1  }
0x1: {  	s2 =	rddreg [dreg:$0x0]  }
0x2: {  	s3 =	rddreg [dreg:$0x1]  }
0x3: {  	s4 =	rddreg [dreg:$0x2]  }
0x4: {  	s0 =	rddreg [dreg:$0x3];
	s1 =	srdreg.scid  }
0x5: {  	_ =	strace $0x8000004A;
	s5 =	simm.s32 $0x1;
	s6 =	sshll.u32 s1, $0x4  }
.Ltmp0:
0x6: {  	s1 =	stileid.u32;
	s6 =	sand.u32 $0x10, s6;
	(pc) =	sbr.rel .LBB2_1-.Ltmp0, $4  }
0x7: {  	s9 =	simm.s32 $0x3;
	s12 =	simm.s32 $0x0;
	s7 =	sor.u32 s1, s6  }
0x8: {  	[sflag:s5] =	ssyncpa.u1 $0x0;
	s6 =	simm.s32 $0x2;
	s7 =	sshll.u32 s7, $0x8  }
0x9: {  	s10 =	simm.s32 $0x0;
	[sflag:s6] =	ssyncpa.u1 $0x0;
	s8 =	sadd.s32 $0x100, s7  }
0xa: {  	vm0 =	vmmov $0xff;
	vm1 =	vcmask $0x3F20;
	[sflag:s9] =	ssyncpa.u1 $0x0;
	s9 =	simm.s32 $0x100;
	s11 =	smov.u32 s7  }
.LBB2_9:
0xb: {  	p0 =	seq.s32 s10, $0x2  }
.Ltmp1:
0xc: {  	_ = 	snop;
	(pc) =	sbr.rel @p0 .LBB2_11-.Ltmp1, $1  }
0xd: {  	_ =	sdelay $0x3  }
.LBB2_10:
0xe: {  	s12 =	sadd.s32 $0x100, s11  }
0xf: {  	s13 =	smov.u32 s7;
	p0 =	slt.s32 s12, s8  }
0x10: {  	s13 =	smov.u32 @p0 s12  }
0x11: {  	s10 =	sadd.s32 $0x1, s10;
	s12 =	smov.u32 s11;
	s11 =	smov.u32 s13  }
.LBB2_1:
0x12: {  	p0 =	sne.s32 s10, $0x0  }
.Ltmp2:
0x13: {  	_ = 	snop;
	(pc) =	sbr.rel @!p0 .LBB2_2-.Ltmp2, $1  }
0x14: {  	_ =	sdelay $0x3  }
0x15: {  	s13 =	sand.u32 $0x1, s10  }
0x16: {  	p0 =	seq.s32 s13, $0x0  }
.Ltmp3:
0x17: {  	_ = 	snop;
	(pc) =	sbr.rel @p0 .LBB2_9-.Ltmp3, $1  }
0x18: {  	_ =	sdelay $0x3  }
0x19: {  	_ =	swait.ge [sflag:s6], $0x100  }
0x1a: {  	[sflag:s6] =	ssyncset.done $0x0  }
0x1b: {  	s13 =	simm.s32 $0x0;
	[sflag:s6] =	ssyncadd.s32 $0xFFFFFF00  }
0x1c: {  	v0 =	vld.msk [tilespmem:s13+$0x100 ss:$0x1], $0xffff;
	_ =	sdelay $0x4  }
0x1d: {  	vm2 =	vgt.s32 v0, $0x0  }
0x1e: {  	v0 =	vnsel vm2, $0x0, v0  }
0x1f: {  	v0 =	vmin.u32 v0, $0x1FFF  }
0x20: {  	v0 =	vshll.u32 v0, $0x4;
	_ =	sdelay $0x3  }
0x21: {  	s13 =	simm.s32 $0x8200  }
0x22: {  	[tilespmem:s13], [sflag:$0x1] =	stream.indirect_vreg.gather [hbm:s2], $0x80, v0, vm0, $0x38;
	[tilespmem:$0x10200] =	vst v63  }
0x23: {  	s14 =	simm.s32 $0x8600;
	s31 =	simm.s32 $0x10  }
0x24: {  	[tilespmem:s14], [sflag:$0x1] =	stream.indirect_vreg.gather [hbm:s2], $0x80, v0, vm1, $0x38;
	[tilespmem:$0x10200] =	vst v63  }
0x25: {  	s14 =	simm.s32 $0x80;
	v0 =	vld.msk [tilespmem:s31+$0x100 ss:$0x1], $0xffff  }
.LBB2_5:
0x26: {  	p0 =	sne.s32 s14, $0x3C0;
	_ =	sdelay $0x4  }
0x27: {  	vm2 =	vgt.s32 v0, $0x0  }
0x28: {  	v0 =	vnsel vm2, $0x0, v0  }
0x29: {  	v0 =	vmin.u32 v0, $0x1FFF  }
0x2a: {  	v0 =	vshll.u32 v0, $0x4;
	_ =	sdelay $0x3  }
.Ltmp4:
0x2b: {  	s13 =	sadd.s32 $0x800, s13;
	(pc) =	sbr.rel @p0 .LBB2_5-.Ltmp4, $4  }
0x2c: {  	[tilespmem:s13], [sflag:$0x1] =	stream.indirect_vreg.gather [hbm:s2], $0x80, v0, vm0, $0x38;
	[tilespmem:$0x10200] =	vst v63  }
0x2d: {  	s15 =	sshra.s32 s14, $0x2;
	s16 =	sadd.s32 $0x400, s13  }
0x2e: {  	[tilespmem:s16], [sflag:$0x1] =	stream.indirect_vreg.gather [hbm:s2], $0x80, v0, vm1, $0x38;
	[tilespmem:$0x10200] =	vst v63  }
0x2f: {  	s14 =	sadd.s32 $0x40, s14;
	v0 =	vld.msk [tilespmem:s15+$0x100 ss:$0x1], $0xffff  }
0x30: {  	_ =	sdelay $0x3  }
0x31: {  	vm2 =	vgt.s32 v0, $0x0  }
0x32: {  	v0 =	vnsel vm2, $0x0, v0  }
0x33: {  	v0 =	vmin.u32 v0, $0x1FFF  }
0x34: {  	v0 =	vshll.u32 v0, $0x4;
	_ =	sdelay $0x3  }
0x35: {  	s13 =	sadd.s32 $0x800, s13  }
0x36: {  	[tilespmem:s13], [sflag:$0x1] =	stream.indirect_vreg.gather [hbm:s2], $0x80, v0, vm0, $0x38;
	[tilespmem:$0x10200] =	vst v63  }
0x37: {  	s13 =	sadd.s32 $0x400, s13  }
0x38: {  	[tilespmem:s13], [sflag:$0x1] =	stream.indirect_vreg.gather [hbm:s2], $0x80, v0, vm1, $0x38;
	[tilespmem:$0x10200] =	vst v63  }
0x39: {  	s12 =	sshll.u32 s12, $0x4;
	s14 =	simm.s32 $0x80;
	_ =	swait.ge [sflag:s5], $0x8000  }
0x3a: {  	s15 =	simm.s32 $0x8600;
	s12 =	sadd.s32 s12, s4;
	[sflag:s5] =	ssyncset.done $0x0  }
0x3b: {  	s16 =	sadd.s32 $0x0, s12;
	s13 =	simm.s32 $0x8200;
	[sflag:s5] =	ssyncadd.s32 $0xFFFF8000  }
.LBB2_7:
0x3c: {  	[hbm:s16] =	stream.linear.scatter [tilespmem:s13], [sflag:$0x3], $0x400, $0x38;
	[tilespmem:$0x10200] =	vst v63  }
0x3d: {  	s16 =	smov.u32 s14;
	s13 =	smov.u32 s15;
	p0 =	sne.s32 s14, $0xF80  }
.Ltmp5:
0x3e: {  	s14 =	sadd.s32 $0x80, s14;
	(pc) =	sbr.rel @p0 .LBB2_7-.Ltmp5, $2  }
0x3f: {  	_ =	sdelay $0x2  }
0x40: {  	s15 =	sadd.s32 $0x400, s15;
	s16 =	sadd.s32 s16, s12  }
.Ltmp6:
0x41: {  	(pc) =	sbr.rel .LBB2_9-.Ltmp6, $2  }
0x42: {  	_ =	sdelay $0x2  }
0x43: {  	[hbm:s16] =	stream.linear.scatter [tilespmem:s13], [sflag:$0x3], $0x400, $0x38;
	[tilespmem:$0x10200] =	vst v63  }
.LBB2_2:
.Ltmp7:
0x44: {  	(pc) =	sbr.rel .LBB2_10-.Ltmp7, $4  }
0x45: {  	_ = 	snop  }
0x46: {  	s12 =	sshrl.u32 s11, $0x3  }
0x47: {  	s13 =	sand.u32 $0x7, s11;
	s12 =	sadd.s32 s3, s12  }
0x48: {  	[tilespmem:s9], [sflag:$0x2] =	stream.linear.gather [hbm4b:s12+s13], $0x100, $0x38;
	[tilespmem:$0x10200] =	vst v63  }
.LBB2_11:
0x49: {  	s2 =	simm.s32 $0x3  }
0x4a: {  	_ =	swait.ge [sflag:s2], $0x8000  }
0x4b: {  	[sflag:s2] =	ssyncset.done $0x0  }
0x4c: {  	[sflag:s2] =	ssyncadd.s32 $0xFFFF8000  }
0x4d: {  	_ =	sfence.sel $0x180000  }
0x4e: {  	s3 =	simm.s32 $0x2;
	[bflag:$0x0] =	sbarrier.arrive $0xFFFF  }
0x4f: {  	[sflag:s3] =	ssyncpa.u1 $0x1  }
0x50: {  	s31 =	simm.s32 $0x1;
	[sflag:s2] =	ssyncpa.u1 $0x1  }
0x51: {  	[sflag:s31] =	ssyncpa.u1 $0x1  }
0x52: {  	p0 =	sne.s32 s1, $0x0;
	_ =	strace $0x9000004A  }
0x53: {  	s0 =	sadd.s32 @!p0 $0x100000, s0;
	[bflag:$0x2] =	sbarrier.arrive $0xFFFF  }
0x54: {  	[sflag:s0] =	ssyncadd.tile.s32 @!p0 $0x1;
	_ =	shalt  }
.Lfunc_end2:
_tile_overlayer_lowered:
.L_overlay_start_2:
0x55: {  	(tag) =	ssettag $0x2  }
0x56: {  	s0 =	rddreg [dreg:$0x0];
	s2 =	stileid.u32  }
0x57: {  	s1 =	rddreg [dreg:$0x1];
	p0 =	sne.s32 s2, $0x0  }
0x58: {  	s3 =	rddreg [dreg:$0x2];
	[bflag:$0x3] =	sbarrier.arrive $0xFFFF;
	s2 =	simm.s32 @!p0 $0x1C01  }
0x59: {  	[timem:s3], [sflag:s2] =	dma.local @!p0 [hbm:s0], s1  }
0x5a: {  	s0 =	simm.s32 @!p0 $0x1  }
0x5b: {  	_ =	swait.ge @!p0 [sflag:s0], s1  }
0x5c: {  	s1 =	ssub.s32 @!p0 $0x0, s1;
	[sflag:s0] =	ssyncset.done @!p0 $0x0  }
0x5d: {  	[sflag:s0] =	ssyncadd.s32 @!p0 s1  }
0x5e: {  	[bflag:$0x3] =	sbarrier.arrive $0xFFFF  }
0x5f: {  	_ =	shalt  }

// kernel: gather_offload_async_start.2
scs
__scs_entry_jumppad:
0x0: {  	(pc) =	sbr.rel $0x88, $3  }
0x1: {  	(tag) =	ssettag $0x0;
	lr =	simm.s32 $0x1  }
0x2: {  	[smem:$0x3F8F] =	sst lr;
	_ =	strace $0xD0000000  }
0x3: {  	_ = 	snop  }
0x4: {  	_ = 	snop  }
0x5: {  	_ = 	snop  }
0x6: {  	_ = 	snop  }
0x7: {  	_ = 	snop  }
__scs_overlays_trampoline_lowered:
0x8: {  	[smem:$0x3F9E] =	sst s0  }
0x9: {  	[smem:$0x3F9F] =	sst s1  }
0xa: {  	[smem:$0x3FA0] =	sst s2  }
0xb: {  	[smem:$0x3FA1] =	sst s3  }
0xc: {  	[smem:$0x3FA2] =	sst s4  }
0xd: {  	[smem:$0x3FA3] =	sst s5  }
0xe: {  	[smem:$0x3FA4] =	sst s6  }
0xf: {  	[smem:$0x3FA5] =	sst s7  }
0x10: {  	[smem:$0x3FA6] =	sst s8  }
0x11: {  	[smem:$0x3FA7] =	sst s9;
	s0 =	simm.s32 @!p0 $0x0  }
0x12: {  	s1 =	sld [smem:$0x3F8D];
	s0 =	simm.s32 @p0 $0x1  }
0x13: {  	[smem:$0x3FA8] =	sst s0;
	s0 =	simm.s32 @!p1 $0x0  }
0x14: {  	s2 =	sld [smem:$0x3F8C];
	s0 =	simm.s32 @p1 $0x1  }
0x15: {  	[smem:$0x3FA9] =	sst s0;
	s0 =	simm.s32 @!p2 $0x0  }
0x16: {  	s3 =	sld [smem:$0x3FDB];
	s0 =	simm.s32 @p2 $0x1  }
0x17: {  	s4 =	simm.s32 $0x1BF5;
	[smem:$0x3FAB] =	sst s0  }
0x18: {  	s0 =	sld [smem:$0x3F8E];
	_ =	swait.ge [sflag:s4], $0x0  }
0x19: {  	s7 =	sld [smem:$0x3F8F]  }
0x1a: {  	s8 =	sadd.s32 $0xFFFFE003, lr  }
0x1b: {  	s9 =	sadd.s32 $0xFFFFFEF7, lr;
	s5 =	simm.s32 $0xFFFFFFFF;
	p2 =	slt.u32 s8, $0xFFFFF086  }
0x1c: {  	p1 =	slt.u32 s9, $0xF7A;
	s5 =	simm.s32 @!p2 $0x0  }
0x1d: {  	s5 =	simm.s32 @p1 $0x1;
	p0 =	seq.s32 s7, s2  }
0x1e: {  	s7 =	smul.u32 @!p0 $0xF7A, s2;
	p2 =	seq.s32 @!p0 s5, $0x0  }
0x1f: {  	s9 =	smul.u32 $0xF7A, s1;
	s8 =	simm.s32 @!p0 $0x1BF5;
	p2 =	por !p2, p0  }
0x20: {  	[sflag:s8] =	ssyncset.s32 @!p0 $0xFFFFF086;
	s6 =	sadd.s32 @!p0 s3, s7;
	s7 =	simm.s32 @!p0 $0x108  }
0x21: {  	s3 =	sadd.s32 s3, s9;
	s6 =	sadd.s32 @!p0 $0x88, s6;
	s7 =	simm.s32 @p2 $0x1082  }
0x22: {  	[simem:s7], [sflag:s8] =	dma.local @!p0 [hbm:s6], $0xF7A  }
0x23: {  	s9 =	sor.u32 $0xD0000000, s2;
	s6 =	simm.s32 $0x108;
	_ =	swait.ge @!p0 [sflag:s8], $0x0  }
0x24: {  	s3 =	sadd.s32 $0x88, s3;
	s6 =	simm.s32 @!p1 $0x1082;
	[sflag:s4] =	ssyncset.s32 $0xFFFFF086  }
0x25: {  	[simem:s6], [sflag:s4] =	dma.local [hbm:s3], $0xF7A  }
0x26: {  	[smem:$0x3F8F] =	sst s1;
	(tag) =	ssettag s2;
	_ =	strace s9  }
0x27: {  	s1 =	sld [smem:$0x3F9F]  }
0x28: {  	s2 =	sld [smem:$0x3FA0]  }
0x29: {  	s4 =	sld [smem:$0x3FA2]  }
0x2a: {  	p0 =	seq.s32 s5, $0x0;
	s5 =	sld [smem:$0x3FA3]  }
0x2b: {  	s6 =	sld [smem:$0x3FA4]  }
0x2c: {  	s7 =	sld [smem:$0x3FA5]  }
0x2d: {  	s3 =	simm.s32 $0x108;
	s8 =	sld [smem:$0x3FA6]  }
0x2e: {  	s3 =	simm.s32 @!p0 $0x1082;
	s9 =	sld [smem:$0x3FA7]  }
0x2f: {  	lr =	sadd.s32 s0, s3;
	s0 =	sld [smem:$0x3F9E]  }
0x30: {  	s3 =	sld [smem:$0x3FA1]  }
0x31: {  	[smem:$0x3FAA] =	sst s10  }
0x32: {  	s10 =	sld [smem:$0x3FA8];
	_ =	sdelay $0x3  }
0x33: {  	p0 =	seq.s32 s10, $0x1;
	s10 =	sld [smem:$0x3FAA];
	_ =	sdelay $0x3  }
0x34: {  	[smem:$0x3FAA] =	sst s10  }
0x35: {  	s10 =	sld [smem:$0x3FA9];
	_ =	sdelay $0x3  }
0x36: {  	p1 =	seq.s32 s10, $0x1;
	s10 =	sld [smem:$0x3FAA];
	_ =	sdelay $0x3  }
0x37: {  	[smem:$0x3FAA] =	sst s10  }
0x38: {  	s10 =	sld [smem:$0x3FAB]  }
0x39: {  	_ = 	snop;
	(pc) =	sbr.ind lr, $3  }
0x3a: {  	_ = 	snop  }
0x3b: {  	_ = 	snop  }
0x3c: {  	p2 =	seq.s32 s10, $0x1;
	s10 =	sld [smem:$0x3FAA]  }
0x3d: {  	_ =	shalt  }
0x3e: {  	_ =	shalt  }
0x3f: {  	_ =	shalt  }
0x40: {  	_ =	shalt  }
0x41: {  	_ =	shalt  }
0x42: {  	_ =	shalt  }
0x43: {  	_ =	shalt  }
0x44: {  	_ =	shalt  }
0x45: {  	_ =	shalt  }
0x46: {  	_ =	shalt  }
0x47: {  	_ =	shalt  }
0x48: {  	_ =	shalt  }
0x49: {  	_ =	shalt  }
0x4a: {  	_ =	shalt  }
0x4b: {  	_ =	shalt  }
0x4c: {  	_ =	shalt  }
0x4d: {  	_ =	shalt  }
0x4e: {  	_ =	shalt  }
0x4f: {  	_ =	shalt  }
0x50: {  	_ =	shalt  }
0x51: {  	_ =	shalt  }
0x52: {  	_ =	shalt  }
0x53: {  	_ =	shalt  }
0x54: {  	_ =	shalt  }
0x55: {  	_ =	shalt  }
0x56: {  	_ =	shalt  }
0x57: {  	_ =	shalt  }
0x58: {  	_ =	shalt  }
0x59: {  	_ =	shalt  }
0x5a: {  	_ =	shalt  }
0x5b: {  	_ =	shalt  }
0x5c: {  	_ =	shalt  }
0x5d: {  	_ =	shalt  }
0x5e: {  	_ =	shalt  }
0x5f: {  	_ =	shalt  }
0x60: {  	_ =	shalt  }
0x61: {  	_ =	shalt  }
0x62: {  	_ =	shalt  }
0x63: {  	_ =	shalt  }
0x64: {  	_ =	shalt  }
0x65: {  	_ =	shalt  }
0x66: {  	_ =	shalt  }
0x67: {  	_ =	shalt  }
0x68: {  	_ =	shalt  }
0x69: {  	_ =	shalt  }
0x6a: {  	_ =	shalt  }
0x6b: {  	_ =	shalt  }
0x6c: {  	_ =	shalt  }
0x6d: {  	_ =	shalt  }
0x6e: {  	_ =	shalt  }
0x6f: {  	_ =	shalt  }
0x70: {  	_ =	shalt  }
0x71: {  	_ =	shalt  }
0x72: {  	_ =	shalt  }
0x73: {  	_ =	shalt  }
0x74: {  	_ =	shalt  }
0x75: {  	_ =	shalt  }
0x76: {  	_ =	shalt  }
0x77: {  	_ =	shalt  }
0x78: {  	_ =	shalt  }
0x79: {  	_ =	shalt  }
0x7a: {  	_ =	shalt  }
0x7b: {  	_ =	shalt  }
0x7c: {  	_ =	shalt  }
0x7d: {  	_ =	shalt  }
0x7e: {  	_ =	shalt  }
0x7f: {  	_ =	shalt  }
0x80: {  	_ =	shalt  }
0x81: {  	_ =	shalt  }
0x82: {  	_ =	shalt  }
0x83: {  	_ =	shalt  }
0x84: {  	_ =	shalt  }
0x85: {  	_ =	shalt  }
0x86: {  	_ =	shalt  }
0x87: {  	_ =	shalt  }
.Lfunc_end0:
.L_simem_size_0:
called_computation.2_lowered:
.L_overlay_start_0:
0x88: {  	s2 =	sld [smem:$0x3FD9]  }
0x89: {  	s3 =	sld [smem:$0x3FFE];
	_ =	sdelay $0x1  }
0x8a: {  	s1 =	srdreg.scid  }
0x8b: {  	s0 =	sand.u32 $0x1, s1  }
0x8c: {  	s14 =	sshll.u32 s0, $0xA;
	s2 =	sadd.s32 s3, s2  }
0x8d: {  	s2 =	sadd.s32 s2, s14  }
0x8e: {  	[smem:$0x3FB6] =	sst s2  }
0x8f: {  	_ = 	snop  }
0x90: {  	s2 =	sld [smem:$0x3FD0];
	_ =	sdelay $0x2  }
0x91: {  	s15 =	simm.s32 $0xA;
	s4 =	simm.s32 $0x10  }
0x92: {  	[smem:s4], [sflag:s15] =	dma.local [hbm:s2], $0x1  }
0x93: {  	_ =	swait.eq [sflag:s15], $0x1  }
0x94: {  	[sflag:s15] =	ssyncset.done $0x0  }
0x95: {  	s16 =	sld [smem:$0x10];
	[sflag:s15] =	ssyncadd.s32 $0xFFFFFFFF  }
0x96: {  	s17 =	sld [smem:$0x11];
	(tm) =	ssettm $0x1  }
0x97: {  	s18 =	sld [smem:$0x3FFB];
	_ =	sdelay $0x3  }
0x98: {  	_ =	strace s18  }
0x99: {  	s4 =	sld [smem:$0x3FFC];
	_ =	sdelay $0x3  }
0x9a: {  	_ =	strace s4  }
0x9b: {  	s4 =	sld [smem:$0x3FFD];
	_ =	sdelay $0x3  }
0x9c: {  	_ =	strace s4  }
0x9d: {  	_ =	strace $0x8FFFFFFF  }
0x9e: {  	s19 =	sld [smem:$0x3FDB];
	_ =	sdelay $0x1  }
0x9f: {  	s5 =	simm.s32 $_scs_section_size  }
0xa0: {  	s6 =	simm.s32 $_size__tile_overlayer_lowered;
	s7 =	simm.s32 $_tile_overlayer_lowered  }
0xa1: {  	s22 =	simm.s32 $0x1BFF;
	s21 =	sshll.u32 s7, $0x1;
	s4 =	sadd.s32 s5, s19  }
0xa2: {  	s8 =	simm.s32 $0x0;
	s20 =	sshll.u32 s6, $0x1;
	s6 =	sadd.s32 s21, s4  }
0xa3: {  	[timem:s8], [sflag:s22] =	dma.local [hbm:s6], s20  }
0xa4: {  	_ =	swait.ge [sflag:s22], s20  }
0xa5: {  	s5 =	ssub.s32 $0x0, s20;
	[sflag:s22] =	ssyncset.done $0x0  }
0xa6: {  	[sflag:s22] =	ssyncadd.s32 s5;
	_ =	sdelay $0x1  }
0xa7: {  	s23 =	simm.s32 $0x1B8B  }
0xa8: {  	_ =	swait.ge [sflag:s23], $0x1  }
0xa9: {  	[sflag:s23] =	ssyncset.done $0x0  }
0xaa: {  	s25 =	simm.s32 $0x1B8E;
	s24 =	sld [smem:$0x3FFE];
	[sflag:s23] =	ssyncadd.s32 $0xFFFFFFFF  }
0xab: {  	s26 =	simm.s32 $execute0_lowered;
	[smem:$0x3FD2] =	sst s25  }
0xac: {  	s6 =	sshll.u32 s26, $0x1;
	_ =	strace $0x8000004C;
	[dreg:$0x1] =	wrdreg $0xFFFFFFFF  }
0xad: {  	s28 =	simm.s32 $_size_execute0_lowered;
	s4 =	sadd.s32 s4, s6;
	[dreg:$0x0] =	wrdreg $0x0  }
0xae: {  	s6 =	sshll.u32 s28, $0x1;
	[dreg:$0x2] =	wrdreg s4  }
0xaf: {  	[dreg:$0x3] =	wrdreg s6  }
0xb0: {  	[dreg:$0x4] =	wrdreg $0xC0  }
0xb1: {  	_ =	task [dreg:s8], $0x5FFFF  }
0xb2: {  	[dreg:$0x1] =	wrdreg $0xFFFFFFFF  }
0xb3: {  	[dreg:$0x0] =	wrdreg $0x60  }
0xb4: {  	[dreg:$0x2] =	wrdreg s24  }
0xb5: {  	[dreg:$0x3] =	wrdreg s17  }
0xb6: {  	[dreg:$0x4] =	wrdreg s16  }
0xb7: {  	[dreg:$0x5] =	wrdreg $0x9  }
0xb8: {  	_ =	task.clear_ibuf [dreg:s8], $0x6FFFF;
	_ =	strace $0x9000004C  }
0xb9: {  	s29 =	simm.s32 $0x9;
	_ =	strace $0x8000004E  }
0xba: {  	_ =	swait.ge [sflag:s29], $0x1  }
0xbb: {  	[sflag:s29] =	ssyncadd.s32 $0xFFFFFFFF  }
0xbc: {  	_ =	strace $0x9000004E  }
0xbd: {  	_ =	sfence  }
0xbe: {  	s30 =	sld [smem:$0x0];
	_ =	sdelay $0x2  }
0xbf: {  	s31 =	sshll.u32 s1, $0xD;
	s1 =	sshrl.u32 s1, $0x2  }
0xc0: {  	s3 =	sand.u32 $0x4000, s31;
	s1 =	sadd.s32 s1, s30  }
0xc1: {  	s0 =	sor.u32 s3, s0;
	s1 =	sshll.u32 s1, $0x11  }
0xc2: {  	s0 =	sor.u32 s1, s0  }
0xc3: {  	s0 =	sadd.s32 $0x8F2B, s0  }
0xc4: {  	[sflag:s0] =	ssyncadd.remote.s32 $0x1  }
0xc5: {  	_ =	sfence.sel $0xFFFF  }
0xc6: {  	[dreg:$0x0] =	wrdreg $0xFFFFFFFF;
	(pc) =	sbr.abs _section_cstart, $3  }
0xc7: {  	[dreg:$0x1] =	wrdreg $0xFFFFFFFF  }
0xc8: {  	_ =	task.clear_ibuf [dreg:s8], $0x2FFFF;
	_ =	strace $0x9FFFFFFF  }
0xc9: {  	(tm) =	ssettm $0x7FFFFFFF  }
tec
execute0_lowered:
.L_overlay_start_1:
0x0: {  	(tag) =	ssettag $0x1  }
0x1: {  	s2 =	rddreg [dreg:$0x0]  }
0x2: {  	s3 =	rddreg [dreg:$0x1]  }
0x3: {  	s4 =	rddreg [dreg:$0x2]  }
0x4: {  	s0 =	rddreg [dreg:$0x3];
	s1 =	srdreg.scid  }
0x5: {  	_ =	strace $0x8000004D;
	s5 =	simm.s32 $0x1;
	s6 =	sshll.u32 s1, $0x4  }
.Ltmp0:
0x6: {  	s1 =	stileid.u32;
	s6 =	sand.u32 $0x10, s6;
	(pc) =	sbr.rel .LBB2_1-.Ltmp0, $4  }
0x7: {  	s9 =	simm.s32 $0x3;
	s12 =	simm.s32 $0x0;
	s7 =	sor.u32 s1, s6  }
0x8: {  	[sflag:s5] =	ssyncpa.u1 $0x0;
	s6 =	simm.s32 $0x2;
	s7 =	sshll.u32 s7, $0x8  }
0x9: {  	s10 =	simm.s32 $0x0;
	[sflag:s6] =	ssyncpa.u1 $0x0;
	s8 =	sadd.s32 $0x100, s7  }
0xa: {  	vm0 =	vmmov $0xff;
	vm1 =	vcmask $0x3F20;
	[sflag:s9] =	ssyncpa.u1 $0x0;
	s9 =	simm.s32 $0x100;
	s11 =	smov.u32 s7  }
.LBB2_9:
0xb: {  	p0 =	seq.s32 s10, $0x2  }
.Ltmp1:
0xc: {  	_ = 	snop;
	(pc) =	sbr.rel @p0 .LBB2_11-.Ltmp1, $1  }
0xd: {  	_ =	sdelay $0x3  }
.LBB2_10:
0xe: {  	s12 =	sadd.s32 $0x100, s11  }
0xf: {  	s13 =	smov.u32 s7;
	p0 =	slt.s32 s12, s8  }
0x10: {  	s13 =	smov.u32 @p0 s12  }
0x11: {  	s10 =	sadd.s32 $0x1, s10;
	s12 =	smov.u32 s11;
	s11 =	smov.u32 s13  }
.LBB2_1:
0x12: {  	p0 =	sne.s32 s10, $0x0  }
.Ltmp2:
0x13: {  	_ = 	snop;
	(pc) =	sbr.rel @!p0 .LBB2_2-.Ltmp2, $1  }
0x14: {  	_ =	sdelay $0x3  }
0x15: {  	s13 =	sand.u32 $0x1, s10  }
0x16: {  	p0 =	seq.s32 s13, $0x0  }
.Ltmp3:
0x17: {  	_ = 	snop;
	(pc) =	sbr.rel @p0 .LBB2_9-.Ltmp3, $1  }
0x18: {  	_ =	sdelay $0x3  }
0x19: {  	_ =	swait.ge [sflag:s6], $0x100  }
0x1a: {  	[sflag:s6] =	ssyncset.done $0x0  }
0x1b: {  	s13 =	simm.s32 $0x0;
	[sflag:s6] =	ssyncadd.s32 $0xFFFFFF00  }
0x1c: {  	v0 =	vld.msk [tilespmem:s13+$0x100 ss:$0x1], $0xffff;
	_ =	sdelay $0x4  }
0x1d: {  	vm2 =	vgt.s32 v0, $0x0  }
0x1e: {  	v0 =	vnsel vm2, $0x0, v0  }
0x1f: {  	v0 =	vmin.u32 v0, $0x1FFF  }
0x20: {  	v0 =	vshll.u32 v0, $0x4;
	_ =	sdelay $0x3  }
0x21: {  	s13 =	simm.s32 $0x8200  }
0x22: {  	[tilespmem:s13], [sflag:$0x1] =	stream.indirect_vreg.gather [hbm:s2], $0x80, v0, vm0, $0x38;
	[tilespmem:$0x10200] =	vst v63  }
0x23: {  	s14 =	simm.s32 $0x8600;
	s31 =	simm.s32 $0x10  }
0x24: {  	[tilespmem:s14], [sflag:$0x1] =	stream.indirect_vreg.gather [hbm:s2], $0x80, v0, vm1, $0x38;
	[tilespmem:$0x10200] =	vst v63  }
0x25: {  	s14 =	simm.s32 $0x80;
	v0 =	vld.msk [tilespmem:s31+$0x100 ss:$0x1], $0xffff  }
.LBB2_5:
0x26: {  	p0 =	sne.s32 s14, $0x3C0;
	_ =	sdelay $0x4  }
0x27: {  	vm2 =	vgt.s32 v0, $0x0  }
0x28: {  	v0 =	vnsel vm2, $0x0, v0  }
0x29: {  	v0 =	vmin.u32 v0, $0x1FFF  }
0x2a: {  	v0 =	vshll.u32 v0, $0x4;
	_ =	sdelay $0x3  }
.Ltmp4:
0x2b: {  	s13 =	sadd.s32 $0x800, s13;
	(pc) =	sbr.rel @p0 .LBB2_5-.Ltmp4, $4  }
0x2c: {  	[tilespmem:s13], [sflag:$0x1] =	stream.indirect_vreg.gather [hbm:s2], $0x80, v0, vm0, $0x38;
	[tilespmem:$0x10200] =	vst v63  }
0x2d: {  	s15 =	sshra.s32 s14, $0x2;
	s16 =	sadd.s32 $0x400, s13  }
0x2e: {  	[tilespmem:s16], [sflag:$0x1] =	stream.indirect_vreg.gather [hbm:s2], $0x80, v0, vm1, $0x38;
	[tilespmem:$0x10200] =	vst v63  }
0x2f: {  	s14 =	sadd.s32 $0x40, s14;
	v0 =	vld.msk [tilespmem:s15+$0x100 ss:$0x1], $0xffff  }
0x30: {  	_ =	sdelay $0x3  }
0x31: {  	vm2 =	vgt.s32 v0, $0x0  }
0x32: {  	v0 =	vnsel vm2, $0x0, v0  }
0x33: {  	v0 =	vmin.u32 v0, $0x1FFF  }
0x34: {  	v0 =	vshll.u32 v0, $0x4;
	_ =	sdelay $0x3  }
0x35: {  	s13 =	sadd.s32 $0x800, s13  }
0x36: {  	[tilespmem:s13], [sflag:$0x1] =	stream.indirect_vreg.gather [hbm:s2], $0x80, v0, vm0, $0x38;
	[tilespmem:$0x10200] =	vst v63  }
0x37: {  	s13 =	sadd.s32 $0x400, s13  }
0x38: {  	[tilespmem:s13], [sflag:$0x1] =	stream.indirect_vreg.gather [hbm:s2], $0x80, v0, vm1, $0x38;
	[tilespmem:$0x10200] =	vst v63  }
0x39: {  	s12 =	sshll.u32 s12, $0x4;
	s14 =	simm.s32 $0x80;
	_ =	swait.ge [sflag:s5], $0x8000  }
0x3a: {  	s15 =	simm.s32 $0x8600;
	s12 =	sadd.s32 s12, s4;
	[sflag:s5] =	ssyncset.done $0x0  }
0x3b: {  	s16 =	sadd.s32 $0x0, s12;
	s13 =	simm.s32 $0x8200;
	[sflag:s5] =	ssyncadd.s32 $0xFFFF8000  }
.LBB2_7:
0x3c: {  	[hbm:s16] =	stream.linear.scatter [tilespmem:s13], [sflag:$0x3], $0x400, $0x38;
	[tilespmem:$0x10200] =	vst v63  }
0x3d: {  	s16 =	smov.u32 s14;
	s13 =	smov.u32 s15;
	p0 =	sne.s32 s14, $0xF80  }
.Ltmp5:
0x3e: {  	s14 =	sadd.s32 $0x80, s14;
	(pc) =	sbr.rel @p0 .LBB2_7-.Ltmp5, $2  }
0x3f: {  	_ =	sdelay $0x2  }
0x40: {  	s15 =	sadd.s32 $0x400, s15;
	s16 =	sadd.s32 s16, s12  }
.Ltmp6:
0x41: {  	(pc) =	sbr.rel .LBB2_9-.Ltmp6, $2  }
0x42: {  	_ =	sdelay $0x2  }
0x43: {  	[hbm:s16] =	stream.linear.scatter [tilespmem:s13], [sflag:$0x3], $0x400, $0x38;
	[tilespmem:$0x10200] =	vst v63  }
.LBB2_2:
.Ltmp7:
0x44: {  	(pc) =	sbr.rel .LBB2_10-.Ltmp7, $4  }
0x45: {  	_ = 	snop  }
0x46: {  	s12 =	sshrl.u32 s11, $0x3  }
0x47: {  	s13 =	sand.u32 $0x7, s11;
	s12 =	sadd.s32 s3, s12  }
0x48: {  	[tilespmem:s9], [sflag:$0x2] =	stream.linear.gather [hbm4b:s12+s13], $0x100, $0x38;
	[tilespmem:$0x10200] =	vst v63  }
.LBB2_11:
0x49: {  	s2 =	simm.s32 $0x3  }
0x4a: {  	_ =	swait.ge [sflag:s2], $0x8000  }
0x4b: {  	[sflag:s2] =	ssyncset.done $0x0  }
0x4c: {  	[sflag:s2] =	ssyncadd.s32 $0xFFFF8000  }
0x4d: {  	_ =	sfence.sel $0x180000  }
0x4e: {  	s3 =	simm.s32 $0x2;
	[bflag:$0x0] =	sbarrier.arrive $0xFFFF  }
0x4f: {  	[sflag:s3] =	ssyncpa.u1 $0x1  }
0x50: {  	s31 =	simm.s32 $0x1;
	[sflag:s2] =	ssyncpa.u1 $0x1  }
0x51: {  	[sflag:s31] =	ssyncpa.u1 $0x1  }
0x52: {  	p0 =	sne.s32 s1, $0x0;
	_ =	strace $0x9000004D  }
0x53: {  	s0 =	sadd.s32 @!p0 $0x100000, s0;
	[bflag:$0x2] =	sbarrier.arrive $0xFFFF  }
0x54: {  	[sflag:s0] =	ssyncadd.tile.s32 @!p0 $0x1;
	_ =	shalt  }
.Lfunc_end2:
_tile_overlayer_lowered:
.L_overlay_start_2:
0x55: {  	(tag) =	ssettag $0x2  }
0x56: {  	s0 =	rddreg [dreg:$0x0];
	s2 =	stileid.u32  }
0x57: {  	s1 =	rddreg [dreg:$0x1];
	p0 =	sne.s32 s2, $0x0  }
0x58: {  	s3 =	rddreg [dreg:$0x2];
	[bflag:$0x3] =	sbarrier.arrive $0xFFFF;
	s2 =	simm.s32 @!p0 $0x1C01  }
0x59: {  	[timem:s3], [sflag:s2] =	dma.local @!p0 [hbm:s0], s1  }
0x5a: {  	s0 =	simm.s32 @!p0 $0x1  }
0x5b: {  	_ =	swait.ge @!p0 [sflag:s0], s1  }
0x5c: {  	s1 =	ssub.s32 @!p0 $0x0, s1;
	[sflag:s0] =	ssyncset.done @!p0 $0x0  }
0x5d: {  	[sflag:s0] =	ssyncadd.s32 @!p0 s1  }
0x5e: {  	[bflag:$0x3] =	sbarrier.arrive $0xFFFF  }
0x5f: {  	_ =	shalt  }

// kernel: gather_offload_async_start.3
scs
__scs_entry_jumppad:
0x0: {  	(pc) =	sbr.rel $0x88, $3  }
0x1: {  	(tag) =	ssettag $0x0;
	lr =	simm.s32 $0x1  }
0x2: {  	[smem:$0x3F8F] =	sst lr;
	_ =	strace $0xD0000000  }
0x3: {  	_ = 	snop  }
0x4: {  	_ = 	snop  }
0x5: {  	_ = 	snop  }
0x6: {  	_ = 	snop  }
0x7: {  	_ = 	snop  }
__scs_overlays_trampoline_lowered:
0x8: {  	[smem:$0x3F9E] =	sst s0  }
0x9: {  	[smem:$0x3F9F] =	sst s1  }
0xa: {  	[smem:$0x3FA0] =	sst s2  }
0xb: {  	[smem:$0x3FA1] =	sst s3  }
0xc: {  	[smem:$0x3FA2] =	sst s4  }
0xd: {  	[smem:$0x3FA3] =	sst s5  }
0xe: {  	[smem:$0x3FA4] =	sst s6  }
0xf: {  	[smem:$0x3FA5] =	sst s7  }
0x10: {  	[smem:$0x3FA6] =	sst s8  }
0x11: {  	[smem:$0x3FA7] =	sst s9;
	s0 =	simm.s32 @!p0 $0x0  }
0x12: {  	s1 =	sld [smem:$0x3F8D];
	s0 =	simm.s32 @p0 $0x1  }
0x13: {  	[smem:$0x3FA8] =	sst s0;
	s0 =	simm.s32 @!p1 $0x0  }
0x14: {  	s2 =	sld [smem:$0x3F8C];
	s0 =	simm.s32 @p1 $0x1  }
0x15: {  	[smem:$0x3FA9] =	sst s0;
	s0 =	simm.s32 @!p2 $0x0  }
0x16: {  	s3 =	sld [smem:$0x3FDB];
	s0 =	simm.s32 @p2 $0x1  }
0x17: {  	s4 =	simm.s32 $0x1BF5;
	[smem:$0x3FAB] =	sst s0  }
0x18: {  	s0 =	sld [smem:$0x3F8E];
	_ =	swait.ge [sflag:s4], $0x0  }
0x19: {  	s7 =	sld [smem:$0x3F8F]  }
0x1a: {  	s8 =	sadd.s32 $0xFFFFE003, lr  }
0x1b: {  	s9 =	sadd.s32 $0xFFFFFEF7, lr;
	s5 =	simm.s32 $0xFFFFFFFF;
	p2 =	slt.u32 s8, $0xFFFFF086  }
0x1c: {  	p1 =	slt.u32 s9, $0xF7A;
	s5 =	simm.s32 @!p2 $0x0  }
0x1d: {  	s5 =	simm.s32 @p1 $0x1;
	p0 =	seq.s32 s7, s2  }
0x1e: {  	s7 =	smul.u32 @!p0 $0xF7A, s2;
	p2 =	seq.s32 @!p0 s5, $0x0  }
0x1f: {  	s9 =	smul.u32 $0xF7A, s1;
	s8 =	simm.s32 @!p0 $0x1BF5;
	p2 =	por !p2, p0  }
0x20: {  	[sflag:s8] =	ssyncset.s32 @!p0 $0xFFFFF086;
	s6 =	sadd.s32 @!p0 s3, s7;
	s7 =	simm.s32 @!p0 $0x108  }
0x21: {  	s3 =	sadd.s32 s3, s9;
	s6 =	sadd.s32 @!p0 $0x88, s6;
	s7 =	simm.s32 @p2 $0x1082  }
0x22: {  	[simem:s7], [sflag:s8] =	dma.local @!p0 [hbm:s6], $0xF7A  }
0x23: {  	s9 =	sor.u32 $0xD0000000, s2;
	s6 =	simm.s32 $0x108;
	_ =	swait.ge @!p0 [sflag:s8], $0x0  }
0x24: {  	s3 =	sadd.s32 $0x88, s3;
	s6 =	simm.s32 @!p1 $0x1082;
	[sflag:s4] =	ssyncset.s32 $0xFFFFF086  }
0x25: {  	[simem:s6], [sflag:s4] =	dma.local [hbm:s3], $0xF7A  }
0x26: {  	[smem:$0x3F8F] =	sst s1;
	(tag) =	ssettag s2;
	_ =	strace s9  }
0x27: {  	s1 =	sld [smem:$0x3F9F]  }
0x28: {  	s2 =	sld [smem:$0x3FA0]  }
0x29: {  	s4 =	sld [smem:$0x3FA2]  }
0x2a: {  	p0 =	seq.s32 s5, $0x0;
	s5 =	sld [smem:$0x3FA3]  }
0x2b: {  	s6 =	sld [smem:$0x3FA4]  }
0x2c: {  	s7 =	sld [smem:$0x3FA5]  }
0x2d: {  	s3 =	simm.s32 $0x108;
	s8 =	sld [smem:$0x3FA6]  }
0x2e: {  	s3 =	simm.s32 @!p0 $0x1082;
	s9 =	sld [smem:$0x3FA7]  }
0x2f: {  	lr =	sadd.s32 s0, s3;
	s0 =	sld [smem:$0x3F9E]  }
0x30: {  	s3 =	sld [smem:$0x3FA1]  }
0x31: {  	[smem:$0x3FAA] =	sst s10  }
0x32: {  	s10 =	sld [smem:$0x3FA8];
	_ =	sdelay $0x3  }
0x33: {  	p0 =	seq.s32 s10, $0x1;
	s10 =	sld [smem:$0x3FAA];
	_ =	sdelay $0x3  }
0x34: {  	[smem:$0x3FAA] =	sst s10  }
0x35: {  	s10 =	sld [smem:$0x3FA9];
	_ =	sdelay $0x3  }
0x36: {  	p1 =	seq.s32 s10, $0x1;
	s10 =	sld [smem:$0x3FAA];
	_ =	sdelay $0x3  }
0x37: {  	[smem:$0x3FAA] =	sst s10  }
0x38: {  	s10 =	sld [smem:$0x3FAB]  }
0x39: {  	_ = 	snop;
	(pc) =	sbr.ind lr, $3  }
0x3a: {  	_ = 	snop  }
0x3b: {  	_ = 	snop  }
0x3c: {  	p2 =	seq.s32 s10, $0x1;
	s10 =	sld [smem:$0x3FAA]  }
0x3d: {  	_ =	shalt  }
0x3e: {  	_ =	shalt  }
0x3f: {  	_ =	shalt  }
0x40: {  	_ =	shalt  }
0x41: {  	_ =	shalt  }
0x42: {  	_ =	shalt  }
0x43: {  	_ =	shalt  }
0x44: {  	_ =	shalt  }
0x45: {  	_ =	shalt  }
0x46: {  	_ =	shalt  }
0x47: {  	_ =	shalt  }
0x48: {  	_ =	shalt  }
0x49: {  	_ =	shalt  }
0x4a: {  	_ =	shalt  }
0x4b: {  	_ =	shalt  }
0x4c: {  	_ =	shalt  }
0x4d: {  	_ =	shalt  }
0x4e: {  	_ =	shalt  }
0x4f: {  	_ =	shalt  }
0x50: {  	_ =	shalt  }
0x51: {  	_ =	shalt  }
0x52: {  	_ =	shalt  }
0x53: {  	_ =	shalt  }
0x54: {  	_ =	shalt  }
0x55: {  	_ =	shalt  }
0x56: {  	_ =	shalt  }
0x57: {  	_ =	shalt  }
0x58: {  	_ =	shalt  }
0x59: {  	_ =	shalt  }
0x5a: {  	_ =	shalt  }
0x5b: {  	_ =	shalt  }
0x5c: {  	_ =	shalt  }
0x5d: {  	_ =	shalt  }
0x5e: {  	_ =	shalt  }
0x5f: {  	_ =	shalt  }
0x60: {  	_ =	shalt  }
0x61: {  	_ =	shalt  }
0x62: {  	_ =	shalt  }
0x63: {  	_ =	shalt  }
0x64: {  	_ =	shalt  }
0x65: {  	_ =	shalt  }
0x66: {  	_ =	shalt  }
0x67: {  	_ =	shalt  }
0x68: {  	_ =	shalt  }
0x69: {  	_ =	shalt  }
0x6a: {  	_ =	shalt  }
0x6b: {  	_ =	shalt  }
0x6c: {  	_ =	shalt  }
0x6d: {  	_ =	shalt  }
0x6e: {  	_ =	shalt  }
0x6f: {  	_ =	shalt  }
0x70: {  	_ =	shalt  }
0x71: {  	_ =	shalt  }
0x72: {  	_ =	shalt  }
0x73: {  	_ =	shalt  }
0x74: {  	_ =	shalt  }
0x75: {  	_ =	shalt  }
0x76: {  	_ =	shalt  }
0x77: {  	_ =	shalt  }
0x78: {  	_ =	shalt  }
0x79: {  	_ =	shalt  }
0x7a: {  	_ =	shalt  }
0x7b: {  	_ =	shalt  }
0x7c: {  	_ =	shalt  }
0x7d: {  	_ =	shalt  }
0x7e: {  	_ =	shalt  }
0x7f: {  	_ =	shalt  }
0x80: {  	_ =	shalt  }
0x81: {  	_ =	shalt  }
0x82: {  	_ =	shalt  }
0x83: {  	_ =	shalt  }
0x84: {  	_ =	shalt  }
0x85: {  	_ =	shalt  }
0x86: {  	_ =	shalt  }
0x87: {  	_ =	shalt  }
.Lfunc_end0:
.L_simem_size_0:
called_computation.3_lowered:
.L_overlay_start_0:
0x88: {  	s2 =	sld [smem:$0x3FD9]  }
0x89: {  	s3 =	sld [smem:$0x3FFE];
	_ =	sdelay $0x1  }
0x8a: {  	s1 =	srdreg.scid  }
0x8b: {  	s0 =	sand.u32 $0x1, s1  }
0x8c: {  	s14 =	sshll.u32 s0, $0xA;
	s2 =	sadd.s32 s3, s2  }
0x8d: {  	s2 =	sadd.s32 s2, s14  }
0x8e: {  	[smem:$0x3FB6] =	sst s2  }
0x8f: {  	_ = 	snop  }
0x90: {  	s2 =	sld [smem:$0x3FD0];
	_ =	sdelay $0x2  }
0x91: {  	s15 =	simm.s32 $0xA;
	s4 =	simm.s32 $0x10  }
0x92: {  	[smem:s4], [sflag:s15] =	dma.local [hbm:s2], $0x1  }
0x93: {  	_ =	swait.eq [sflag:s15], $0x1  }
0x94: {  	[sflag:s15] =	ssyncset.done $0x0  }
0x95: {  	[sflag:s15] =	ssyncadd.s32 $0xFFFFFFFF  }
0x96: {  	s16 =	sld [smem:$0x10];
	(tm) =	ssettm $0x1  }
0x97: {  	s17 =	sld [smem:$0x3FFB];
	_ =	sdelay $0x3  }
0x98: {  	_ =	strace s17  }
0x99: {  	s3 =	sld [smem:$0x3FFC];
	_ =	sdelay $0x3  }
0x9a: {  	_ =	strace s3  }
0x9b: {  	s3 =	sld [smem:$0x3FFD];
	_ =	sdelay $0x3  }
0x9c: {  	_ =	strace s3  }
0x9d: {  	_ =	strace $0x8FFFFFFF  }
0x9e: {  	s18 =	sld [smem:$0x3FDB];
	_ =	sdelay $0x1  }
0x9f: {  	s19 =	simm.s32 $_scs_section_size  }
0xa0: {  	s5 =	simm.s32 $_size__tile_overlayer_lowered;
	s6 =	simm.s32 $_tile_overlayer_lowered  }
0xa1: {  	s22 =	simm.s32 $0x1BFF;
	s21 =	sshll.u32 s6, $0x1;
	s3 =	sadd.s32 s19, s18  }
0xa2: {  	s7 =	simm.s32 $0x0;
	s20 =	sshll.u32 s5, $0x1;
	s5 =	sadd.s32 s21, s3  }
0xa3: {  	[timem:s7], [sflag:s22] =	dma.local [hbm:s5], s20  }
0xa4: {  	_ =	swait.ge [sflag:s22], s20  }
0xa5: {  	s4 =	ssub.s32 $0x0, s20;
	[sflag:s22] =	ssyncset.done $0x0  }
0xa6: {  	[sflag:s22] =	ssyncadd.s32 s4;
	_ =	sdelay $0x1  }
0xa7: {  	s23 =	simm.s32 $0x1B8B  }
0xa8: {  	_ =	swait.ge [sflag:s23], $0x1  }
0xa9: {  	[sflag:s23] =	ssyncset.done $0x0  }
0xaa: {  	s25 =	simm.s32 $0x1B8E;
	s24 =	sld [smem:$0x3FFE];
	[sflag:s23] =	ssyncadd.s32 $0xFFFFFFFF  }
0xab: {  	s26 =	simm.s32 $execute0_lowered;
	[smem:$0x3FD2] =	sst s25  }
0xac: {  	s5 =	sshll.u32 s26, $0x1;
	_ =	strace $0x8000004F;
	[dreg:$0x1] =	wrdreg $0xFFFFFFFF  }
0xad: {  	s28 =	simm.s32 $_size_execute0_lowered;
	s3 =	sadd.s32 s3, s5;
	[dreg:$0x0] =	wrdreg $0x0  }
0xae: {  	s5 =	sshll.u32 s28, $0x1;
	[dreg:$0x2] =	wrdreg s3  }
0xaf: {  	[dreg:$0x3] =	wrdreg s5  }
0xb0: {  	[dreg:$0x4] =	wrdreg $0xC0  }
0xb1: {  	_ =	task [dreg:s7], $0x5FFFF  }
0xb2: {  	[dreg:$0x1] =	wrdreg $0xFFFFFFFF  }
0xb3: {  	[dreg:$0x0] =	wrdreg $0x60  }
0xb4: {  	[dreg:$0x2] =	wrdreg s24  }
0xb5: {  	[dreg:$0x3] =	wrdreg s16  }
0xb6: {  	[dreg:$0x4] =	wrdreg $0x9  }
0xb7: {  	_ =	task.clear_ibuf [dreg:s7], $0x5FFFF;
	_ =	strace $0x9000004F  }
0xb8: {  	s29 =	simm.s32 $0x9;
	_ =	strace $0x80000051  }
0xb9: {  	_ =	swait.ge [sflag:s29], $0x1  }
0xba: {  	[sflag:s29] =	ssyncadd.s32 $0xFFFFFFFF  }
0xbb: {  	_ =	strace $0x90000051  }
0xbc: {  	_ =	sfence  }
0xbd: {  	s30 =	sld [smem:$0x0];
	_ =	sdelay $0x2  }
0xbe: {  	s31 =	sshll.u32 s1, $0xD;
	s1 =	sshrl.u32 s1, $0x2  }
0xbf: {  	s3 =	sand.u32 $0x4000, s31;
	s1 =	sadd.s32 s1, s30  }
0xc0: {  	s0 =	sor.u32 s3, s0;
	s1 =	sshll.u32 s1, $0x11  }
0xc1: {  	s0 =	sor.u32 s1, s0  }
0xc2: {  	s0 =	sadd.s32 $0x8F2B, s0  }
0xc3: {  	[sflag:s0] =	ssyncadd.remote.s32 $0x1  }
0xc4: {  	_ =	sfence.sel $0xFFFF  }
0xc5: {  	[dreg:$0x0] =	wrdreg $0xFFFFFFFF;
	(pc) =	sbr.abs _section_cstart, $3  }
0xc6: {  	[dreg:$0x1] =	wrdreg $0xFFFFFFFF  }
0xc7: {  	_ =	task.clear_ibuf [dreg:s7], $0x2FFFF;
	_ =	strace $0x9FFFFFFF  }
0xc8: {  	(tm) =	ssettm $0x7FFFFFFF  }
0xc9: {  	_ =	shalt  }
tec
execute0_lowered:
.L_overlay_start_1:
0x0: {  	(tag) =	ssettag $0x1  }
0x1: {  	s2 =	rddreg [dreg:$0x0]  }
0x2: {  	s3 =	rddreg [dreg:$0x1]  }
0x3: {  	s0 =	rddreg [dreg:$0x2];
	s1 =	srdreg.scid;
	_ =	strace $0x80000050  }
0x4: {  	s4 =	simm.s32 $0x1;
	s9 =	simm.s32 $0x3;
	s5 =	sshll.u32 s1, $0x4  }
.Ltmp0:
0x5: {  	s1 =	stileid.u32;
	s5 =	sand.u32 $0x10, s5;
	(pc) =	sbr.rel .LBB2_1-.Ltmp0, $4  }
0x6: {  	s12 =	simm.s32 $0x0;
	s10 =	simm.s32 $0x0;
	s6 =	sor.u32 s1, s5  }
0x7: {  	[sflag:s4] =	ssyncpa.u1 $0x0;
	s5 =	simm.s32 $0x2;
	s6 =	sshll.u32 s6, $0x8  }
0x8: {  	s7 =	sadd.s32 $0x20E00, s2;
	[sflag:s5] =	ssyncpa.u1 $0x0;
	s8 =	sadd.s32 $0x100, s6  }
0x9: {  	vm0 =	vmmov $0xff;
	vm1 =	vcmask $0x3F20;
	[sflag:s9] =	ssyncpa.u1 $0x0;
	s9 =	simm.s32 $0x100;
	s11 =	smov.u32 s6  }
.LBB2_9:
0xa: {  	p0 =	seq.s32 s10, $0x2  }
.Ltmp1:
0xb: {  	_ = 	snop;
	(pc) =	sbr.rel @p0 .LBB2_11-.Ltmp1, $1  }
0xc: {  	_ =	sdelay $0x3  }
.LBB2_10:
0xd: {  	s12 =	sadd.s32 $0x100, s11  }
0xe: {  	s13 =	smov.u32 s6;
	p0 =	slt.s32 s12, s8  }
0xf: {  	s13 =	smov.u32 @p0 s12  }
0x10: {  	s10 =	sadd.s32 $0x1, s10;
	s12 =	smov.u32 s11;
	s11 =	smov.u32 s13  }
.LBB2_1:
0x11: {  	p0 =	sne.s32 s10, $0x0  }
.Ltmp2:
0x12: {  	_ = 	snop;
	(pc) =	sbr.rel @!p0 .LBB2_2-.Ltmp2, $1  }
0x13: {  	_ =	sdelay $0x3  }
0x14: {  	s13 =	sand.u32 $0x1, s10  }
0x15: {  	p0 =	seq.s32 s13, $0x0  }
.Ltmp3:
0x16: {  	_ = 	snop;
	(pc) =	sbr.rel @p0 .LBB2_9-.Ltmp3, $1  }
0x17: {  	_ =	sdelay $0x3  }
0x18: {  	_ =	swait.ge [sflag:s5], $0x100  }
0x19: {  	[sflag:s5] =	ssyncset.done $0x0  }
0x1a: {  	s13 =	simm.s32 $0x0;
	[sflag:s5] =	ssyncadd.s32 $0xFFFFFF00  }
0x1b: {  	v0 =	vld.msk [tilespmem:s13+$0x100 ss:$0x1], $0xffff;
	_ =	sdelay $0x4  }
0x1c: {  	vm2 =	vgt.s32 v0, $0x0  }
0x1d: {  	v0 =	vnsel vm2, $0x0, v0  }
0x1e: {  	v0 =	vmin.u32 v0, $0x1FFF  }
0x1f: {  	v0 =	vshll.u32 v0, $0x4;
	_ =	sdelay $0x3  }
0x20: {  	s13 =	simm.s32 $0x8200  }
0x21: {  	[tilespmem:s13], [sflag:$0x1] =	stream.indirect_vreg.gather [hbm:s2], $0x80, v0, vm0, $0x38;
	[tilespmem:$0x10200] =	vst v63  }
0x22: {  	s14 =	simm.s32 $0x8600;
	s31 =	simm.s32 $0x10  }
0x23: {  	[tilespmem:s14], [sflag:$0x1] =	stream.indirect_vreg.gather [hbm:s2], $0x80, v0, vm1, $0x38;
	[tilespmem:$0x10200] =	vst v63  }
0x24: {  	s14 =	simm.s32 $0x80;
	v0 =	vld.msk [tilespmem:s31+$0x100 ss:$0x1], $0xffff  }
.LBB2_5:
0x25: {  	p0 =	sne.s32 s14, $0x3C0;
	_ =	sdelay $0x4  }
0x26: {  	vm2 =	vgt.s32 v0, $0x0  }
0x27: {  	v0 =	vnsel vm2, $0x0, v0  }
0x28: {  	v0 =	vmin.u32 v0, $0x1FFF  }
0x29: {  	v0 =	vshll.u32 v0, $0x4;
	_ =	sdelay $0x3  }
.Ltmp4:
0x2a: {  	s13 =	sadd.s32 $0x800, s13;
	(pc) =	sbr.rel @p0 .LBB2_5-.Ltmp4, $4  }
0x2b: {  	[tilespmem:s13], [sflag:$0x1] =	stream.indirect_vreg.gather [hbm:s2], $0x80, v0, vm0, $0x38;
	[tilespmem:$0x10200] =	vst v63  }
0x2c: {  	s15 =	sshra.s32 s14, $0x2;
	s16 =	sadd.s32 $0x400, s13  }
0x2d: {  	[tilespmem:s16], [sflag:$0x1] =	stream.indirect_vreg.gather [hbm:s2], $0x80, v0, vm1, $0x38;
	[tilespmem:$0x10200] =	vst v63  }
0x2e: {  	s14 =	sadd.s32 $0x40, s14;
	v0 =	vld.msk [tilespmem:s15+$0x100 ss:$0x1], $0xffff  }
0x2f: {  	_ =	sdelay $0x3  }
0x30: {  	vm2 =	vgt.s32 v0, $0x0  }
0x31: {  	v0 =	vnsel vm2, $0x0, v0  }
0x32: {  	v0 =	vmin.u32 v0, $0x1FFF  }
0x33: {  	v0 =	vshll.u32 v0, $0x4;
	_ =	sdelay $0x3  }
0x34: {  	s13 =	sadd.s32 $0x800, s13  }
0x35: {  	[tilespmem:s13], [sflag:$0x1] =	stream.indirect_vreg.gather [hbm:s2], $0x80, v0, vm0, $0x38;
	[tilespmem:$0x10200] =	vst v63  }
0x36: {  	s13 =	sadd.s32 $0x400, s13  }
0x37: {  	[tilespmem:s13], [sflag:$0x1] =	stream.indirect_vreg.gather [hbm:s2], $0x80, v0, vm1, $0x38;
	[tilespmem:$0x10200] =	vst v63  }
0x38: {  	s12 =	sshll.u32 s12, $0x4;
	s14 =	simm.s32 $0x80;
	_ =	swait.ge [sflag:s4], $0x8000  }
0x39: {  	s15 =	simm.s32 $0x8600;
	s12 =	sadd.s32 s12, s3;
	[sflag:s4] =	ssyncset.done $0x0  }
0x3a: {  	s16 =	sadd.s32 $0x0, s12;
	s13 =	simm.s32 $0x8200;
	[sflag:s4] =	ssyncadd.s32 $0xFFFF8000  }
.LBB2_7:
0x3b: {  	[hbm:s16] =	stream.linear.scatter [tilespmem:s13], [sflag:$0x3], $0x400, $0x38;
	[tilespmem:$0x10200] =	vst v63  }
0x3c: {  	s16 =	smov.u32 s14;
	s13 =	smov.u32 s15;
	p0 =	sne.s32 s14, $0xF80  }
.Ltmp5:
0x3d: {  	s14 =	sadd.s32 $0x80, s14;
	(pc) =	sbr.rel @p0 .LBB2_7-.Ltmp5, $2  }
0x3e: {  	_ =	sdelay $0x2  }
0x3f: {  	s15 =	sadd.s32 $0x400, s15;
	s16 =	sadd.s32 s16, s12  }
.Ltmp6:
0x40: {  	(pc) =	sbr.rel .LBB2_9-.Ltmp6, $2  }
0x41: {  	_ =	sdelay $0x2  }
0x42: {  	[hbm:s16] =	stream.linear.scatter [tilespmem:s13], [sflag:$0x3], $0x400, $0x38;
	[tilespmem:$0x10200] =	vst v63  }
.LBB2_2:
.Ltmp7:
0x43: {  	(pc) =	sbr.rel .LBB2_10-.Ltmp7, $4  }
0x44: {  	_ = 	snop  }
0x45: {  	s12 =	sshrl.u32 s11, $0x3  }
0x46: {  	s13 =	sand.u32 $0x7, s11;
	s12 =	sadd.s32 s7, s12  }
0x47: {  	[tilespmem:s9], [sflag:$0x2] =	stream.linear.gather [hbm4b:s12+s13], $0x100, $0x38;
	[tilespmem:$0x10200] =	vst v63  }
.LBB2_11:
0x48: {  	s2 =	simm.s32 $0x3  }
0x49: {  	_ =	swait.ge [sflag:s2], $0x8000  }
0x4a: {  	[sflag:s2] =	ssyncset.done $0x0  }
0x4b: {  	[sflag:s2] =	ssyncadd.s32 $0xFFFF8000  }
0x4c: {  	_ =	sfence.sel $0x180000  }
0x4d: {  	s3 =	simm.s32 $0x2;
	[bflag:$0x0] =	sbarrier.arrive $0xFFFF  }
0x4e: {  	[sflag:s3] =	ssyncpa.u1 $0x1  }
0x4f: {  	s31 =	simm.s32 $0x1;
	[sflag:s2] =	ssyncpa.u1 $0x1  }
0x50: {  	[sflag:s31] =	ssyncpa.u1 $0x1  }
0x51: {  	p0 =	sne.s32 s1, $0x0;
	_ =	strace $0x90000050  }
0x52: {  	s0 =	sadd.s32 @!p0 $0x100000, s0;
	[bflag:$0x2] =	sbarrier.arrive $0xFFFF  }
0x53: {  	[sflag:s0] =	ssyncadd.tile.s32 @!p0 $0x1;
	_ =	shalt  }
.Lfunc_end2:
_tile_overlayer_lowered:
.L_overlay_start_2:
0x54: {  	(tag) =	ssettag $0x2  }
0x55: {  	s0 =	rddreg [dreg:$0x0];
	s2 =	stileid.u32  }
0x56: {  	s1 =	rddreg [dreg:$0x1];
	p0 =	sne.s32 s2, $0x0  }
0x57: {  	s3 =	rddreg [dreg:$0x2];
	[bflag:$0x3] =	sbarrier.arrive $0xFFFF;
	s2 =	simm.s32 @!p0 $0x1C01  }
0x58: {  	[timem:s3], [sflag:s2] =	dma.local @!p0 [hbm:s0], s1  }
0x59: {  	s0 =	simm.s32 @!p0 $0x1  }
0x5a: {  	_ =	swait.ge @!p0 [sflag:s0], s1  }
0x5b: {  	s1 =	ssub.s32 @!p0 $0x0, s1;
	[sflag:s0] =	ssyncset.done @!p0 $0x0  }
0x5c: {  	[sflag:s0] =	ssyncadd.s32 @!p0 s1  }
0x5d: {  	[bflag:$0x3] =	sbarrier.arrive $0xFFFF  }
0x5e: {  	_ =	shalt  }

// kernel: gather_offload_async_start
scs
__scs_entry_jumppad:
0x0: {  	(pc) =	sbr.rel $0x88, $3  }
0x1: {  	(tag) =	ssettag $0x0;
	lr =	simm.s32 $0x1  }
0x2: {  	[smem:$0x3F8F] =	sst lr;
	_ =	strace $0xD0000000  }
0x3: {  	_ = 	snop  }
0x4: {  	_ = 	snop  }
0x5: {  	_ = 	snop  }
0x6: {  	_ = 	snop  }
0x7: {  	_ = 	snop  }
__scs_overlays_trampoline_lowered:
0x8: {  	[smem:$0x3F9E] =	sst s0  }
0x9: {  	[smem:$0x3F9F] =	sst s1  }
0xa: {  	[smem:$0x3FA0] =	sst s2  }
0xb: {  	[smem:$0x3FA1] =	sst s3  }
0xc: {  	[smem:$0x3FA2] =	sst s4  }
0xd: {  	[smem:$0x3FA3] =	sst s5  }
0xe: {  	[smem:$0x3FA4] =	sst s6  }
0xf: {  	[smem:$0x3FA5] =	sst s7  }
0x10: {  	[smem:$0x3FA6] =	sst s8  }
0x11: {  	[smem:$0x3FA7] =	sst s9;
	s0 =	simm.s32 @!p0 $0x0  }
0x12: {  	s1 =	sld [smem:$0x3F8D];
	s0 =	simm.s32 @p0 $0x1  }
0x13: {  	[smem:$0x3FA8] =	sst s0;
	s0 =	simm.s32 @!p1 $0x0  }
0x14: {  	s2 =	sld [smem:$0x3F8C];
	s0 =	simm.s32 @p1 $0x1  }
0x15: {  	[smem:$0x3FA9] =	sst s0;
	s0 =	simm.s32 @!p2 $0x0  }
0x16: {  	s3 =	sld [smem:$0x3FDB];
	s0 =	simm.s32 @p2 $0x1  }
0x17: {  	s4 =	simm.s32 $0x1BF5;
	[smem:$0x3FAB] =	sst s0  }
0x18: {  	s0 =	sld [smem:$0x3F8E];
	_ =	swait.ge [sflag:s4], $0x0  }
0x19: {  	s7 =	sld [smem:$0x3F8F]  }
0x1a: {  	s8 =	sadd.s32 $0xFFFFE003, lr  }
0x1b: {  	s9 =	sadd.s32 $0xFFFFFEF7, lr;
	s5 =	simm.s32 $0xFFFFFFFF;
	p2 =	slt.u32 s8, $0xFFFFF086  }
0x1c: {  	p1 =	slt.u32 s9, $0xF7A;
	s5 =	simm.s32 @!p2 $0x0  }
0x1d: {  	s5 =	simm.s32 @p1 $0x1;
	p0 =	seq.s32 s7, s2  }
0x1e: {  	s7 =	smul.u32 @!p0 $0xF7A, s2;
	p2 =	seq.s32 @!p0 s5, $0x0  }
0x1f: {  	s9 =	smul.u32 $0xF7A, s1;
	s8 =	simm.s32 @!p0 $0x1BF5;
	p2 =	por !p2, p0  }
0x20: {  	[sflag:s8] =	ssyncset.s32 @!p0 $0xFFFFF086;
	s6 =	sadd.s32 @!p0 s3, s7;
	s7 =	simm.s32 @!p0 $0x108  }
0x21: {  	s3 =	sadd.s32 s3, s9;
	s6 =	sadd.s32 @!p0 $0x88, s6;
	s7 =	simm.s32 @p2 $0x1082  }
0x22: {  	[simem:s7], [sflag:s8] =	dma.local @!p0 [hbm:s6], $0xF7A  }
0x23: {  	s9 =	sor.u32 $0xD0000000, s2;
	s6 =	simm.s32 $0x108;
	_ =	swait.ge @!p0 [sflag:s8], $0x0  }
0x24: {  	s3 =	sadd.s32 $0x88, s3;
	s6 =	simm.s32 @!p1 $0x1082;
	[sflag:s4] =	ssyncset.s32 $0xFFFFF086  }
0x25: {  	[simem:s6], [sflag:s4] =	dma.local [hbm:s3], $0xF7A  }
0x26: {  	[smem:$0x3F8F] =	sst s1;
	(tag) =	ssettag s2;
	_ =	strace s9  }
0x27: {  	s1 =	sld [smem:$0x3F9F]  }
0x28: {  	s2 =	sld [smem:$0x3FA0]  }
0x29: {  	s4 =	sld [smem:$0x3FA2]  }
0x2a: {  	p0 =	seq.s32 s5, $0x0;
	s5 =	sld [smem:$0x3FA3]  }
0x2b: {  	s6 =	sld [smem:$0x3FA4]  }
0x2c: {  	s7 =	sld [smem:$0x3FA5]  }
0x2d: {  	s3 =	simm.s32 $0x108;
	s8 =	sld [smem:$0x3FA6]  }
0x2e: {  	s3 =	simm.s32 @!p0 $0x1082;
	s9 =	sld [smem:$0x3FA7]  }
0x2f: {  	lr =	sadd.s32 s0, s3;
	s0 =	sld [smem:$0x3F9E]  }
0x30: {  	s3 =	sld [smem:$0x3FA1]  }
0x31: {  	[smem:$0x3FAA] =	sst s10  }
0x32: {  	s10 =	sld [smem:$0x3FA8];
	_ =	sdelay $0x3  }
0x33: {  	p0 =	seq.s32 s10, $0x1;
	s10 =	sld [smem:$0x3FAA];
	_ =	sdelay $0x3  }
0x34: {  	[smem:$0x3FAA] =	sst s10  }
0x35: {  	s10 =	sld [smem:$0x3FA9];
	_ =	sdelay $0x3  }
0x36: {  	p1 =	seq.s32 s10, $0x1;
	s10 =	sld [smem:$0x3FAA];
	_ =	sdelay $0x3  }
0x37: {  	[smem:$0x3FAA] =	sst s10  }
0x38: {  	s10 =	sld [smem:$0x3FAB]  }
0x39: {  	_ = 	snop;
	(pc) =	sbr.ind lr, $3  }
0x3a: {  	_ = 	snop  }
0x3b: {  	_ = 	snop  }
0x3c: {  	p2 =	seq.s32 s10, $0x1;
	s10 =	sld [smem:$0x3FAA]  }
0x3d: {  	_ =	shalt  }
0x3e: {  	_ =	shalt  }
0x3f: {  	_ =	shalt  }
0x40: {  	_ =	shalt  }
0x41: {  	_ =	shalt  }
0x42: {  	_ =	shalt  }
0x43: {  	_ =	shalt  }
0x44: {  	_ =	shalt  }
0x45: {  	_ =	shalt  }
0x46: {  	_ =	shalt  }
0x47: {  	_ =	shalt  }
0x48: {  	_ =	shalt  }
0x49: {  	_ =	shalt  }
0x4a: {  	_ =	shalt  }
0x4b: {  	_ =	shalt  }
0x4c: {  	_ =	shalt  }
0x4d: {  	_ =	shalt  }
0x4e: {  	_ =	shalt  }
0x4f: {  	_ =	shalt  }
0x50: {  	_ =	shalt  }
0x51: {  	_ =	shalt  }
0x52: {  	_ =	shalt  }
0x53: {  	_ =	shalt  }
0x54: {  	_ =	shalt  }
0x55: {  	_ =	shalt  }
0x56: {  	_ =	shalt  }
0x57: {  	_ =	shalt  }
0x58: {  	_ =	shalt  }
0x59: {  	_ =	shalt  }
0x5a: {  	_ =	shalt  }
0x5b: {  	_ =	shalt  }
0x5c: {  	_ =	shalt  }
0x5d: {  	_ =	shalt  }
0x5e: {  	_ =	shalt  }
0x5f: {  	_ =	shalt  }
0x60: {  	_ =	shalt  }
0x61: {  	_ =	shalt  }
0x62: {  	_ =	shalt  }
0x63: {  	_ =	shalt  }
0x64: {  	_ =	shalt  }
0x65: {  	_ =	shalt  }
0x66: {  	_ =	shalt  }
0x67: {  	_ =	shalt  }
0x68: {  	_ =	shalt  }
0x69: {  	_ =	shalt  }
0x6a: {  	_ =	shalt  }
0x6b: {  	_ =	shalt  }
0x6c: {  	_ =	shalt  }
0x6d: {  	_ =	shalt  }
0x6e: {  	_ =	shalt  }
0x6f: {  	_ =	shalt  }
0x70: {  	_ =	shalt  }
0x71: {  	_ =	shalt  }
0x72: {  	_ =	shalt  }
0x73: {  	_ =	shalt  }
0x74: {  	_ =	shalt  }
0x75: {  	_ =	shalt  }
0x76: {  	_ =	shalt  }
0x77: {  	_ =	shalt  }
0x78: {  	_ =	shalt  }
0x79: {  	_ =	shalt  }
0x7a: {  	_ =	shalt  }
0x7b: {  	_ =	shalt  }
0x7c: {  	_ =	shalt  }
0x7d: {  	_ =	shalt  }
0x7e: {  	_ =	shalt  }
0x7f: {  	_ =	shalt  }
0x80: {  	_ =	shalt  }
0x81: {  	_ =	shalt  }
0x82: {  	_ =	shalt  }
0x83: {  	_ =	shalt  }
0x84: {  	_ =	shalt  }
0x85: {  	_ =	shalt  }
0x86: {  	_ =	shalt  }
0x87: {  	_ =	shalt  }
.Lfunc_end0:
.L_simem_size_0:
called_computation_lowered:
.L_overlay_start_0:
0x88: {  	s2 =	sld [smem:$0x3FD9]  }
0x89: {  	s3 =	sld [smem:$0x3FFE];
	_ =	sdelay $0x1  }
0x8a: {  	s1 =	srdreg.scid  }
0x8b: {  	s0 =	sand.u32 $0x1, s1  }
0x8c: {  	s14 =	sshll.u32 s0, $0xA;
	s2 =	sadd.s32 s3, s2  }
0x8d: {  	s2 =	sadd.s32 s2, s14  }
0x8e: {  	[smem:$0x3FB6] =	sst s2  }
0x8f: {  	_ = 	snop  }
0x90: {  	s2 =	sld [smem:$0x3FD0];
	_ =	sdelay $0x2  }
0x91: {  	s15 =	simm.s32 $0xA;
	s4 =	simm.s32 $0x10  }
0x92: {  	[smem:s4], [sflag:s15] =	dma.local [hbm:s2], $0x1  }
0x93: {  	_ =	swait.eq [sflag:s15], $0x1  }
0x94: {  	[sflag:s15] =	ssyncset.done $0x0  }
0x95: {  	s16 =	sld [smem:$0x10];
	[sflag:s15] =	ssyncadd.s32 $0xFFFFFFFF  }
0x96: {  	s17 =	sld [smem:$0x11];
	(tm) =	ssettm $0x1  }
0x97: {  	s18 =	sld [smem:$0x3FFB];
	_ =	sdelay $0x3  }
0x98: {  	_ =	strace s18  }
0x99: {  	s4 =	sld [smem:$0x3FFC];
	_ =	sdelay $0x3  }
0x9a: {  	_ =	strace s4  }
0x9b: {  	s4 =	sld [smem:$0x3FFD];
	_ =	sdelay $0x3  }
0x9c: {  	_ =	strace s4  }
0x9d: {  	_ =	strace $0x8FFFFFFF  }
0x9e: {  	s19 =	sld [smem:$0x3FDB];
	_ =	sdelay $0x1  }
0x9f: {  	s5 =	simm.s32 $_scs_section_size  }
0xa0: {  	s6 =	simm.s32 $_size__tile_overlayer_lowered;
	s7 =	simm.s32 $_tile_overlayer_lowered  }
0xa1: {  	s22 =	simm.s32 $0x1BFF;
	s21 =	sshll.u32 s7, $0x1;
	s4 =	sadd.s32 s5, s19  }
0xa2: {  	s8 =	simm.s32 $0x0;
	s20 =	sshll.u32 s6, $0x1;
	s6 =	sadd.s32 s21, s4  }
0xa3: {  	[timem:s8], [sflag:s22] =	dma.local [hbm:s6], s20  }
0xa4: {  	_ =	swait.ge [sflag:s22], s20  }
0xa5: {  	s5 =	ssub.s32 $0x0, s20;
	[sflag:s22] =	ssyncset.done $0x0  }
0xa6: {  	[sflag:s22] =	ssyncadd.s32 s5;
	_ =	sdelay $0x1  }
0xa7: {  	s23 =	simm.s32 $0x1B8B  }
0xa8: {  	_ =	swait.ge [sflag:s23], $0x1  }
0xa9: {  	[sflag:s23] =	ssyncset.done $0x0  }
0xaa: {  	s25 =	simm.s32 $0x1B8E;
	s24 =	sld [smem:$0x3FFE];
	[sflag:s23] =	ssyncadd.s32 $0xFFFFFFFF  }
0xab: {  	s26 =	simm.s32 $execute0_lowered;
	[smem:$0x3FD2] =	sst s25  }
0xac: {  	s6 =	sshll.u32 s26, $0x1;
	_ =	strace $0x80000046;
	[dreg:$0x1] =	wrdreg $0xFFFFFFFF  }
0xad: {  	s28 =	simm.s32 $_size_execute0_lowered;
	s4 =	sadd.s32 s4, s6;
	[dreg:$0x0] =	wrdreg $0x0  }
0xae: {  	s6 =	sshll.u32 s28, $0x1;
	[dreg:$0x2] =	wrdreg s4  }
0xaf: {  	[dreg:$0x3] =	wrdreg s6  }
0xb0: {  	[dreg:$0x4] =	wrdreg $0xC0  }
0xb1: {  	_ =	task [dreg:s8], $0x5FFFF  }
0xb2: {  	[dreg:$0x1] =	wrdreg $0xFFFFFFFF  }
0xb3: {  	[dreg:$0x0] =	wrdreg $0x60  }
0xb4: {  	[dreg:$0x2] =	wrdreg s24  }
0xb5: {  	[dreg:$0x3] =	wrdreg s17  }
0xb6: {  	[dreg:$0x4] =	wrdreg s16  }
0xb7: {  	[dreg:$0x5] =	wrdreg $0x9  }
0xb8: {  	_ =	task.clear_ibuf [dreg:s8], $0x6FFFF;
	_ =	strace $0x90000046  }
0xb9: {  	s29 =	simm.s32 $0x9;
	_ =	strace $0x80000048  }
0xba: {  	_ =	swait.ge [sflag:s29], $0x1  }
0xbb: {  	[sflag:s29] =	ssyncadd.s32 $0xFFFFFFFF  }
0xbc: {  	_ =	strace $0x90000048  }
0xbd: {  	_ =	sfence  }
0xbe: {  	s30 =	sld [smem:$0x0];
	_ =	sdelay $0x2  }
0xbf: {  	s31 =	sshll.u32 s1, $0xD;
	s1 =	sshrl.u32 s1, $0x2  }
0xc0: {  	s3 =	sand.u32 $0x4000, s31;
	s1 =	sadd.s32 s1, s30  }
0xc1: {  	s0 =	sor.u32 s3, s0;
	s1 =	sshll.u32 s1, $0x11  }
0xc2: {  	s0 =	sor.u32 s1, s0  }
0xc3: {  	s0 =	sadd.s32 $0x8F2B, s0  }
0xc4: {  	[sflag:s0] =	ssyncadd.remote.s32 $0x1  }
0xc5: {  	_ =	sfence.sel $0xFFFF  }
0xc6: {  	[dreg:$0x0] =	wrdreg $0xFFFFFFFF;
	(pc) =	sbr.abs _section_cstart, $3  }
0xc7: {  	[dreg:$0x1] =	wrdreg $0xFFFFFFFF  }
0xc8: {  	_ =	task.clear_ibuf [dreg:s8], $0x2FFFF;
	_ =	strace $0x9FFFFFFF  }
0xc9: {  	(tm) =	ssettm $0x7FFFFFFF  }
tec
execute0_lowered:
.L_overlay_start_1:
0x0: {  	(tag) =	ssettag $0x1  }
0x1: {  	s2 =	rddreg [dreg:$0x0]  }
0x2: {  	s3 =	rddreg [dreg:$0x1]  }
0x3: {  	s4 =	rddreg [dreg:$0x2]  }
0x4: {  	s0 =	rddreg [dreg:$0x3];
	s1 =	srdreg.scid  }
0x5: {  	_ =	strace $0x80000047;
	s5 =	simm.s32 $0x1;
	s6 =	sshll.u32 s1, $0x4  }
.Ltmp0:
0x6: {  	s1 =	stileid.u32;
	s6 =	sand.u32 $0x10, s6;
	(pc) =	sbr.rel .LBB2_1-.Ltmp0, $4  }
0x7: {  	s9 =	simm.s32 $0x3;
	s12 =	simm.s32 $0x0;
	s7 =	sor.u32 s1, s6  }
0x8: {  	[sflag:s5] =	ssyncpa.u1 $0x0;
	s6 =	simm.s32 $0x2;
	s7 =	sshll.u32 s7, $0x8  }
0x9: {  	s10 =	simm.s32 $0x0;
	[sflag:s6] =	ssyncpa.u1 $0x0;
	s8 =	sadd.s32 $0x100, s7  }
0xa: {  	vm0 =	vmmov $0xff;
	vm1 =	vcmask $0x3F20;
	[sflag:s9] =	ssyncpa.u1 $0x0;
	s9 =	simm.s32 $0x100;
	s11 =	smov.u32 s7  }
.LBB2_9:
0xb: {  	p0 =	seq.s32 s10, $0x2  }
.Ltmp1:
0xc: {  	_ = 	snop;
	(pc) =	sbr.rel @p0 .LBB2_11-.Ltmp1, $1  }
0xd: {  	_ =	sdelay $0x3  }
.LBB2_10:
0xe: {  	s12 =	sadd.s32 $0x100, s11  }
0xf: {  	s13 =	smov.u32 s7;
	p0 =	slt.s32 s12, s8  }
0x10: {  	s13 =	smov.u32 @p0 s12  }
0x11: {  	s10 =	sadd.s32 $0x1, s10;
	s12 =	smov.u32 s11;
	s11 =	smov.u32 s13  }
.LBB2_1:
0x12: {  	p0 =	sne.s32 s10, $0x0  }
.Ltmp2:
0x13: {  	_ = 	snop;
	(pc) =	sbr.rel @!p0 .LBB2_2-.Ltmp2, $1  }
0x14: {  	_ =	sdelay $0x3  }
0x15: {  	s13 =	sand.u32 $0x1, s10  }
0x16: {  	p0 =	seq.s32 s13, $0x0  }
.Ltmp3:
0x17: {  	_ = 	snop;
	(pc) =	sbr.rel @p0 .LBB2_9-.Ltmp3, $1  }
0x18: {  	_ =	sdelay $0x3  }
0x19: {  	_ =	swait.ge [sflag:s6], $0x100  }
0x1a: {  	[sflag:s6] =	ssyncset.done $0x0  }
0x1b: {  	s13 =	simm.s32 $0x0;
	[sflag:s6] =	ssyncadd.s32 $0xFFFFFF00  }
0x1c: {  	v0 =	vld.msk [tilespmem:s13+$0x100 ss:$0x1], $0xffff;
	_ =	sdelay $0x4  }
0x1d: {  	vm2 =	vgt.s32 v0, $0x0  }
0x1e: {  	v0 =	vnsel vm2, $0x0, v0  }
0x1f: {  	v0 =	vmin.u32 v0, $0x1FFF  }
0x20: {  	v0 =	vshll.u32 v0, $0x4;
	_ =	sdelay $0x3  }
0x21: {  	s13 =	simm.s32 $0x8200  }
0x22: {  	[tilespmem:s13], [sflag:$0x1] =	stream.indirect_vreg.gather [hbm:s2], $0x80, v0, vm0, $0x38;
	[tilespmem:$0x10200] =	vst v63  }
0x23: {  	s14 =	simm.s32 $0x8600;
	s31 =	simm.s32 $0x10  }
0x24: {  	[tilespmem:s14], [sflag:$0x1] =	stream.indirect_vreg.gather [hbm:s2], $0x80, v0, vm1, $0x38;
	[tilespmem:$0x10200] =	vst v63  }
0x25: {  	s14 =	simm.s32 $0x80;
	v0 =	vld.msk [tilespmem:s31+$0x100 ss:$0x1], $0xffff  }
.LBB2_5:
0x26: {  	p0 =	sne.s32 s14, $0x3C0;
	_ =	sdelay $0x4  }
0x27: {  	vm2 =	vgt.s32 v0, $0x0  }
0x28: {  	v0 =	vnsel vm2, $0x0, v0  }
0x29: {  	v0 =	vmin.u32 v0, $0x1FFF  }
0x2a: {  	v0 =	vshll.u32 v0, $0x4;
	_ =	sdelay $0x3  }
.Ltmp4:
0x2b: {  	s13 =	sadd.s32 $0x800, s13;
	(pc) =	sbr.rel @p0 .LBB2_5-.Ltmp4, $4  }
0x2c: {  	[tilespmem:s13], [sflag:$0x1] =	stream.indirect_vreg.gather [hbm:s2], $0x80, v0, vm0, $0x38;
	[tilespmem:$0x10200] =	vst v63  }
0x2d: {  	s15 =	sshra.s32 s14, $0x2;
	s16 =	sadd.s32 $0x400, s13  }
0x2e: {  	[tilespmem:s16], [sflag:$0x1] =	stream.indirect_vreg.gather [hbm:s2], $0x80, v0, vm1, $0x38;
	[tilespmem:$0x10200] =	vst v63  }
0x2f: {  	s14 =	sadd.s32 $0x40, s14;
	v0 =	vld.msk [tilespmem:s15+$0x100 ss:$0x1], $0xffff  }
0x30: {  	_ =	sdelay $0x3  }
0x31: {  	vm2 =	vgt.s32 v0, $0x0  }
0x32: {  	v0 =	vnsel vm2, $0x0, v0  }
0x33: {  	v0 =	vmin.u32 v0, $0x1FFF  }
0x34: {  	v0 =	vshll.u32 v0, $0x4;
	_ =	sdelay $0x3  }
0x35: {  	s13 =	sadd.s32 $0x800, s13  }
0x36: {  	[tilespmem:s13], [sflag:$0x1] =	stream.indirect_vreg.gather [hbm:s2], $0x80, v0, vm0, $0x38;
	[tilespmem:$0x10200] =	vst v63  }
0x37: {  	s13 =	sadd.s32 $0x400, s13  }
0x38: {  	[tilespmem:s13], [sflag:$0x1] =	stream.indirect_vreg.gather [hbm:s2], $0x80, v0, vm1, $0x38;
	[tilespmem:$0x10200] =	vst v63  }
0x39: {  	s12 =	sshll.u32 s12, $0x4;
	s14 =	simm.s32 $0x80;
	_ =	swait.ge [sflag:s5], $0x8000  }
0x3a: {  	s15 =	simm.s32 $0x8600;
	s12 =	sadd.s32 s12, s4;
	[sflag:s5] =	ssyncset.done $0x0  }
0x3b: {  	s16 =	sadd.s32 $0x0, s12;
	s13 =	simm.s32 $0x8200;
	[sflag:s5] =	ssyncadd.s32 $0xFFFF8000  }
.LBB2_7:
0x3c: {  	[hbm:s16] =	stream.linear.scatter [tilespmem:s13], [sflag:$0x3], $0x400, $0x38;
	[tilespmem:$0x10200] =	vst v63  }
0x3d: {  	s16 =	smov.u32 s14;
	s13 =	smov.u32 s15;
	p0 =	sne.s32 s14, $0xF80  }
.Ltmp5:
0x3e: {  	s14 =	sadd.s32 $0x80, s14;
	(pc) =	sbr.rel @p0 .LBB2_7-.Ltmp5, $2  }
0x3f: {  	_ =	sdelay $0x2  }
0x40: {  	s15 =	sadd.s32 $0x400, s15;
	s16 =	sadd.s32 s16, s12  }
.Ltmp6:
0x41: {  	(pc) =	sbr.rel .LBB2_9-.Ltmp6, $2  }
0x42: {  	_ =	sdelay $0x2  }
0x43: {  	[hbm:s16] =	stream.linear.scatter [tilespmem:s13], [sflag:$0x3], $0x400, $0x38;
	[tilespmem:$0x10200] =	vst v63  }
.LBB2_2:
.Ltmp7:
0x44: {  	(pc) =	sbr.rel .LBB2_10-.Ltmp7, $4  }
0x45: {  	_ = 	snop  }
0x46: {  	s12 =	sshrl.u32 s11, $0x3  }
0x47: {  	s13 =	sand.u32 $0x7, s11;
	s12 =	sadd.s32 s3, s12  }
0x48: {  	[tilespmem:s9], [sflag:$0x2] =	stream.linear.gather [hbm4b:s12+s13], $0x100, $0x38;
	[tilespmem:$0x10200] =	vst v63  }
.LBB2_11:
0x49: {  	s2 =	simm.s32 $0x3  }
0x4a: {  	_ =	swait.ge [sflag:s2], $0x8000  }
0x4b: {  	[sflag:s2] =	ssyncset.done $0x0  }
0x4c: {  	[sflag:s2] =	ssyncadd.s32 $0xFFFF8000  }
0x4d: {  	_ =	sfence.sel $0x180000  }
0x4e: {  	s3 =	simm.s32 $0x2;
	[bflag:$0x0] =	sbarrier.arrive $0xFFFF  }
0x4f: {  	[sflag:s3] =	ssyncpa.u1 $0x1  }
0x50: {  	s31 =	simm.s32 $0x1;
	[sflag:s2] =	ssyncpa.u1 $0x1  }
0x51: {  	[sflag:s31] =	ssyncpa.u1 $0x1  }
0x52: {  	p0 =	sne.s32 s1, $0x0;
	_ =	strace $0x90000047  }
0x53: {  	s0 =	sadd.s32 @!p0 $0x100000, s0;
	[bflag:$0x2] =	sbarrier.arrive $0xFFFF  }
0x54: {  	[sflag:s0] =	ssyncadd.tile.s32 @!p0 $0x1;
	_ =	shalt  }
.Lfunc_end2:
_tile_overlayer_lowered:
.L_overlay_start_2:
0x55: {  	(tag) =	ssettag $0x2  }
0x56: {  	s0 =	rddreg [dreg:$0x0];
	s2 =	stileid.u32  }
0x57: {  	s1 =	rddreg [dreg:$0x1];
	p0 =	sne.s32 s2, $0x0  }
0x58: {  	s3 =	rddreg [dreg:$0x2];
	[bflag:$0x3] =	sbarrier.arrive $0xFFFF;
	s2 =	simm.s32 @!p0 $0x1C01  }
0x59: {  	[timem:s3], [sflag:s2] =	dma.local @!p0 [hbm:s0], s1  }
0x5a: {  	s0 =	simm.s32 @!p0 $0x1  }
0x5b: {  	_ =	swait.ge @!p0 [sflag:s0], s1  }
0x5c: {  	s1 =	ssub.s32 @!p0 $0x0, s1;
	[sflag:s0] =	ssyncset.done @!p0 $0x0  }
0x5d: {  	[sflag:s0] =	ssyncadd.s32 @!p0 s1  }
0x5e: {  	[bflag:$0x3] =	sbarrier.arrive $0xFFFF  }
0x5f: {  	_ =	shalt  }

</sc_bundles>
